<compile_context>
chip_gen: v7x
topology: tpu7x:2x2x1
jax: 0.10.2.dev20260603
libtpu: 0.0.44.dev20260713+nightly
codegen_flags: <defaults>
</compile_context>

<pallas_src>
import functools

import jax
import jax.numpy as jnp
from jax import lax
from jax.experimental import pallas as pl
from jax.experimental.pallas import tpu as pltpu
from jax.experimental.pallas import tpu_sc as plsc

_LANES = 16
_BLK = 128


@functools.lru_cache(maxsize=None)
def _build(n_pts: int):
    info = plsc.get_sparse_core_info()
    nc, ns = info.num_cores, info.num_subcores
    nw = nc * ns
    assert n_pts % _BLK == 0
    blocks = n_pts // _BLK
    bpw = -(-blocks // nw)
    last_base = blocks - bpw

    mesh = plsc.VectorSubcoreMesh(core_axis_name="c", subcore_axis_name="s")

    @functools.partial(
        pl.kernel,
        out_type=jax.ShapeDtypeStruct((blocks, 4, _BLK), jnp.float32),
        mesh=mesh,
        compiler_params=pltpu.CompilerParams(needs_layout_passes=False),
        scratch_types=[
            pltpu.VMEM((bpw, 4, _BLK), jnp.float32),
            pltpu.VMEM((bpw, 4, _BLK), jnp.float32),
            pltpu.SemaphoreType.DMA,
            pltpu.SemaphoreType.DMA,
        ],
    )
    def sc_kernel(pts_hbm, out_hbm, vin, vout, s_in, s_out):
        wid = lax.axis_index("s") * nc + lax.axis_index("c")
        blk_base = jnp.minimum(wid * bpw, last_base)

        pltpu.async_copy(
            pts_hbm.at[pl.ds(blk_base, bpw)], vin, s_in
        ).wait()

        @plsc.parallel_loop(0, bpw, unroll=2)
        def body(b):
            for k in range(_BLK // _LANES):
                o = k * _LANES
                xs = vin[b, 0, pl.ds(o, _LANES)]
                ys = vin[b, 1, pl.ds(o, _LANES)]
                zs = vin[b, 2, pl.ds(o, _LANES)]
                ws = vin[b, 3, pl.ds(o, _LANES)]
                pm = (xs >= 0.0) & (xs <= 70.4) & (ys >= -40.0) & (ys <= 40.0)
                pmf = jnp.where(pm, jnp.float32(1), jnp.float32(0))
                vout[b, 0, pl.ds(o, _LANES)] = xs * pmf
                vout[b, 1, pl.ds(o, _LANES)] = ys * pmf
                vout[b, 2, pl.ds(o, _LANES)] = zs * pmf
                vout[b, 3, pl.ds(o, _LANES)] = ws * pmf

        pltpu.async_copy(
            vout, out_hbm.at[pl.ds(blk_base, bpw)], s_out
        ).wait()

    return sc_kernel


def _mask_body(i_ref, o_ref):
    x = i_ref[:, 0, :]
    y = i_ref[:, 1, :]
    o_ref[...] = (x >= 0.0) & (x <= 70.4) & (y >= -40.0) & (y <= 40.0)


@functools.lru_cache(maxsize=None)
def _mask_kernel(rows: int):
    return pl.pallas_call(
        _mask_body,
        out_shape=jax.ShapeDtypeStruct((rows, _BLK), jnp.bool_),
    )


def kernel(points):
    n = points.shape[0]
    nb = n // _BLK
    q3 = points.reshape(nb, _BLK, 4).transpose(0, 2, 1)
    out3 = _build(n)(q3)
    mask = _mask_kernel(nb)(q3).reshape(-1)
    filtered = out3.transpose(0, 2, 1).reshape(n, 4)
    return filtered, mask

# --- scband reference (transcript-rebuilt; emitter-appended) ---
"""Pipeline reference for scband-object-range-filter-74345883893877 (READ-ONLY COPY).

The authoritative reference and input builder live on the scoring server;
editing this copy changes nothing except your own understanding.
"""

import jax, jax.numpy as jnp
import numpy as np

PC_RANGE = jnp.array([0.0, -40.0, -3.0, 70.4, 40.0, 1.0], dtype=jnp.float32)


def setup_inputs(seed: int = 0) -> dict:
    key = jax.random.key(seed)
    # randn scaled to LiDAR-like spatial extent so the range mask is non-trivial
    points = jax.random.normal(key, (400000, 4), dtype=jnp.float32) * 50.0
    return {"points": points}


def reference(points):
    # ObjectRangeFilter.forward, eval mode: mask points by x/y range.
    lr = PC_RANGE
    mask = (points[:, 0] >= lr[0]) & (points[:, 0] <= lr[3]) & \
           (points[:, 1] >= lr[1]) & (points[:, 1] <= lr[4])
    # Static-shape equivalent of points[mask]: zero out filtered rows.
    # (Dynamic boolean compaction is not jit/shardable; downstream consumers
    # use the mask to ignore invalid rows.)
    filtered = jnp.where(mask[:, None], points, 0.0)
    return filtered, mask

if __name__ == "__main__":
    import jax
    _d = setup_inputs()
    print(jax.jit(kernel)(*tuple(_d.values())))

</pallas_src>

<mosaic_0001>
#map = affine_map<(d0, d1) -> (0, 0, 0)>
module attributes {stable_mosaic.version = 14 : i64} {
  func.func @sc_kernel(%arg0: i32, %arg1: i32, %arg2: memref<3125x4x128xf32, #tpu.memory_space<hbm>>, %arg3: memref<3125x4x128xf32, #tpu.memory_space<hbm>>, %arg4: memref<98x4x128xf32, #tpu.memory_space<vmem>>, %arg5: memref<98x4x128xf32, #tpu.memory_space<vmem>>, %arg6: memref<!tpu.dma_semaphore, #tpu.memory_space<semaphore_mem>>, %arg7: memref<!tpu.dma_semaphore, #tpu.memory_space<semaphore_mem>>) attributes {dimension_semantics = [#tpu.dimension_semantics<core_parallel>, #tpu.dimension_semantics<subcore_parallel>], iteration_bounds = array<i64: 2, 16>, scalar_prefetch = 0 : i64, scratch_operands = 4 : i64, tpu.core_type = #tpu.core_type<sc_vector_subcore>, window_params = [{transform_indices = #map}, {transform_indices = #map}]} {
    %mul3A = arith.constant 2 : i32
    %mul3A_0 = arith.muli %arg1, %mul3A : i32
    %add3A = arith.addi %mul3A_0, %arg0 : i32
    %mul3A_1 = arith.constant 98 : i32
    %mul3A_2 = arith.muli %add3A, %mul3A_1 : i32
    %min3A = arith.constant 3027 : i32
    %min3A_3 = arith.minsi %mul3A_2, %min3A : i32
    %dma_start3A = arith.constant 0 : i32
    %dma_start3A_4 = arith.constant 0 : i32
    %dma_start3A_5 = tpu.memref_slice %arg2[%min3A_3, %dma_start3A, %dma_start3A_4] : memref<3125x4x128xf32, #tpu.memory_space<hbm>> -> memref<98x4x128xf32, #tpu.memory_space<hbm>>
    %dma_start3A_6 = arith.constant 0 : i32
    %dma_start3A_7 = arith.constant 0 : i32
    %dma_start3A_8 = tpu.memref_slice %arg2[%min3A_3, %dma_start3A_6, %dma_start3A_7] : memref<3125x4x128xf32, #tpu.memory_space<hbm>> -> memref<98x4x128xf32, #tpu.memory_space<hbm>>
    tpu.enqueue_dma source(%dma_start3A_8 : memref<98x4x128xf32, #tpu.memory_space<hbm>>) target(%arg4 : memref<98x4x128xf32, #tpu.memory_space<vmem>>) target_semaphore(%arg6 : memref<!tpu.dma_semaphore, #tpu.memory_space<semaphore_mem>>)
    %dma_wait3A = arith.constant 0 : i32
    %dma_wait3A_9 = arith.constant 0 : i32
    %dma_wait3A_10 = tpu.memref_slice %arg2[%min3A_3, %dma_wait3A, %dma_wait3A_9] : memref<3125x4x128xf32, #tpu.memory_space<hbm>> -> memref<98x4x128xf32, #tpu.memory_space<hbm>>
    %dma_wait3A_11 = arith.constant 0 : i32
    %dma_wait3A_12 = arith.constant 0 : i32
    %dma_wait3A_13 = tpu.memref_slice %arg2[%min3A_3, %dma_wait3A_11, %dma_wait3A_12] : memref<3125x4x128xf32, #tpu.memory_space<hbm>> -> memref<98x4x128xf32, #tpu.memory_space<hbm>>
    tpu.wait_dma2 semaphore(%arg6 : memref<!tpu.dma_semaphore, #tpu.memory_space<semaphore_mem>>) src(%dma_wait3A_13 : memref<98x4x128xf32, #tpu.memory_space<hbm>>) dst(%arg4 : memref<98x4x128xf32, #tpu.memory_space<vmem>>)
    %parallel_loop3A = arith.constant 0 : i32
    %parallel_loop3A_14 = arith.constant 98 : i32
    %parallel_loop3A_15 = arith.constant 1 : i32
    scf.for %parallel_loop3A_28 = %parallel_loop3A to %parallel_loop3A_14 step %parallel_loop3A_15  : i32 {
      %parallel_loop3A_29 = arith.constant 0 : i32
      %parallel_loop3A_30 = arith.index_cast %parallel_loop3A_28 : i32 to index
      %parallel_loop3A_31 = arith.index_cast %parallel_loop3A_29 : i32 to index
      %parallel_loop3A_32 = arith.constant 0 : index
      %parallel_loop3A_33 = tpu.vector_load %arg4[%parallel_loop3A_30, %parallel_loop3A_31, %parallel_loop3A_32] {strides = array<i32>} : memref<98x4x128xf32, #tpu.memory_space<vmem>>, vector<16xf32>,
      %parallel_loop3A_34 = arith.constant 1 : i32
      %parallel_loop3A_35 = arith.index_cast %parallel_loop3A_28 : i32 to index
      %parallel_loop3A_36 = arith.index_cast %parallel_loop3A_34 : i32 to index
      %parallel_loop3A_37 = arith.constant 0 : index
      %parallel_loop3A_38 = tpu.vector_load %arg4[%parallel_loop3A_35, %parallel_loop3A_36, %parallel_loop3A_37] {strides = array<i32>} : memref<98x4x128xf32, #tpu.memory_space<vmem>>, vector<16xf32>,
      %parallel_loop3A_39 = arith.constant 2 : i32
      %parallel_loop3A_40 = arith.index_cast %parallel_loop3A_28 : i32 to index
      %parallel_loop3A_41 = arith.index_cast %parallel_loop3A_39 : i32 to index
      %parallel_loop3A_42 = arith.constant 0 : index
      %parallel_loop3A_43 = tpu.vector_load %arg4[%parallel_loop3A_40, %parallel_loop3A_41, %parallel_loop3A_42] {strides = array<i32>} : memref<98x4x128xf32, #tpu.memory_space<vmem>>, vector<16xf32>,
      %parallel_loop3A_44 = arith.constant 3 : i32
      %parallel_loop3A_45 = arith.index_cast %parallel_loop3A_28 : i32 to index
      %parallel_loop3A_46 = arith.index_cast %parallel_loop3A_44 : i32 to index
      %parallel_loop3A_47 = arith.constant 0 : index
      %parallel_loop3A_48 = tpu.vector_load %arg4[%parallel_loop3A_45, %parallel_loop3A_46, %parallel_loop3A_47] {strides = array<i32>} : memref<98x4x128xf32, #tpu.memory_space<vmem>>, vector<16xf32>,
      %parallel_loop3A_49 = arith.constant 0.000000e+00 : f32
      %parallel_loop3A_50 = vector.broadcast %parallel_loop3A_49 : f32 to vector<16xf32>
      %parallel_loop3A_51 = arith.cmpf oge, %parallel_loop3A_33, %parallel_loop3A_50 : vector<16xf32>
      %parallel_loop3A_52 = arith.constant 7.040000e+01 : f32
      %parallel_loop3A_53 = vector.broadcast %parallel_loop3A_52 : f32 to vector<16xf32>
      %parallel_loop3A_54 = arith.cmpf ole, %parallel_loop3A_33, %parallel_loop3A_53 : vector<16xf32>
      %parallel_loop3A_55 = arith.andi %parallel_loop3A_51, %parallel_loop3A_54 : vector<16xi1>
      %parallel_loop3A_56 = arith.constant -4.000000e+01 : f32
      %parallel_loop3A_57 = vector.broadcast %parallel_loop3A_56 : f32 to vector<16xf32>
      %parallel_loop3A_58 = arith.cmpf oge, %parallel_loop3A_38, %parallel_loop3A_57 : vector<16xf32>
      %parallel_loop3A_59 = arith.andi %parallel_loop3A_55, %parallel_loop3A_58 : vector<16xi1>
      %parallel_loop3A_60 = arith.constant 4.000000e+01 : f32
      %parallel_loop3A_61 = vector.broadcast %parallel_loop3A_60 : f32 to vector<16xf32>
      %parallel_loop3A_62 = arith.cmpf ole, %parallel_loop3A_38, %parallel_loop3A_61 : vector<16xf32>
      %parallel_loop3A_63 = arith.andi %parallel_loop3A_59, %parallel_loop3A_62 : vector<16xi1>
      %parallel_loop3A_64 = arith.constant 1.000000e+00 : f32
      %parallel_loop3A_65 = arith.constant 0.000000e+00 : f32
      %parallel_loop3A_66 = vector.broadcast %parallel_loop3A_64 : f32 to vector<16xf32>
      %parallel_loop3A_67 = vector.broadcast %parallel_loop3A_65 : f32 to vector<16xf32>
      %parallel_loop3A_68 = arith.select %parallel_loop3A_63, %parallel_loop3A_66, %parallel_loop3A_67 : vector<16xi1>, vector<16xf32>
      %parallel_loop3A_69 = arith.mulf %parallel_loop3A_33, %parallel_loop3A_68 : vector<16xf32>
      %parallel_loop3A_70 = arith.constant 0 : i32
      %parallel_loop3A_71 = arith.index_cast %parallel_loop3A_28 : i32 to index
      %parallel_loop3A_72 = arith.index_cast %parallel_loop3A_70 : i32 to index
      %parallel_loop3A_73 = arith.constant 0 : index
      %parallel_loop3A_74 = tpu.vector_load %arg5[%parallel_loop3A_71, %parallel_loop3A_72, %parallel_loop3A_73] {strides = array<i32>} : memref<98x4x128xf32, #tpu.memory_space<vmem>>, vector<16xf32>,
      tpu.vector_store %arg5[%parallel_loop3A_71, %parallel_loop3A_72, %parallel_loop3A_73], %parallel_loop3A_69 {strides = array<i32>} : memref<98x4x128xf32, #tpu.memory_space<vmem>>, vector<16xf32>,
      %parallel_loop3A_75 = arith.mulf %parallel_loop3A_38, %parallel_loop3A_68 : vector<16xf32>
      %parallel_loop3A_76 = arith.constant 1 : i32
      %parallel_loop3A_77 = arith.index_cast %parallel_loop3A_28 : i32 to index
      %parallel_loop3A_78 = arith.index_cast %parallel_loop3A_76 : i32 to index
      %parallel_loop3A_79 = arith.constant 0 : index
      %parallel_loop3A_80 = tpu.vector_load %arg5[%parallel_loop3A_77, %parallel_loop3A_78, %parallel_loop3A_79] {strides = array<i32>} : memref<98x4x128xf32, #tpu.memory_space<vmem>>, vector<16xf32>,
      tpu.vector_store %arg5[%parallel_loop3A_77, %parallel_loop3A_78, %parallel_loop3A_79], %parallel_loop3A_75 {strides = array<i32>} : memref<98x4x128xf32, #tpu.memory_space<vmem>>, vector<16xf32>,
      %parallel_loop3A_81 = arith.mulf %parallel_loop3A_43, %parallel_loop3A_68 : vector<16xf32>
      %parallel_loop3A_82 = arith.constant 2 : i32
      %parallel_loop3A_83 = arith.index_cast %parallel_loop3A_28 : i32 to index
      %parallel_loop3A_84 = arith.index_cast %parallel_loop3A_82 : i32 to index
      %parallel_loop3A_85 = arith.constant 0 : index
      %parallel_loop3A_86 = tpu.vector_load %arg5[%parallel_loop3A_83, %parallel_loop3A_84, %parallel_loop3A_85] {strides = array<i32>} : memref<98x4x128xf32, #tpu.memory_space<vmem>>, vector<16xf32>,
      tpu.vector_store %arg5[%parallel_loop3A_83, %parallel_loop3A_84, %parallel_loop3A_85], %parallel_loop3A_81 {strides = array<i32>} : memref<98x4x128xf32, #tpu.memory_space<vmem>>, vector<16xf32>,
      %parallel_loop3A_87 = arith.mulf %parallel_loop3A_48, %parallel_loop3A_68 : vector<16xf32>
      %parallel_loop3A_88 = arith.constant 3 : i32
      %parallel_loop3A_89 = arith.index_cast %parallel_loop3A_28 : i32 to index
      %parallel_loop3A_90 = arith.index_cast %parallel_loop3A_88 : i32 to index
      %parallel_loop3A_91 = arith.constant 0 : index
      %parallel_loop3A_92 = tpu.vector_load %arg5[%parallel_loop3A_89, %parallel_loop3A_90, %parallel_loop3A_91] {strides = array<i32>} : memref<98x4x128xf32, #tpu.memory_space<vmem>>, vector<16xf32>,
      tpu.vector_store %arg5[%parallel_loop3A_89, %parallel_loop3A_90, %parallel_loop3A_91], %parallel_loop3A_87 {strides = array<i32>} : memref<98x4x128xf32, #tpu.memory_space<vmem>>, vector<16xf32>,
      %parallel_loop3A_93 = arith.constant 0 : i32
      %parallel_loop3A_94 = arith.index_cast %parallel_loop3A_28 : i32 to index
      %parallel_loop3A_95 = arith.index_cast %parallel_loop3A_93 : i32 to index
      %parallel_loop3A_96 = arith.constant 16 : index
      %parallel_loop3A_97 = tpu.vector_load %arg4[%parallel_loop3A_94, %parallel_loop3A_95, %parallel_loop3A_96] {strides = array<i32>} : memref<98x4x128xf32, #tpu.memory_space<vmem>>, vector<16xf32>,
      %parallel_loop3A_98 = arith.constant 1 : i32
      %parallel_loop3A_99 = arith.index_cast %parallel_loop3A_28 : i32 to index
      %parallel_loop3A_100 = arith.index_cast %parallel_loop3A_98 : i32 to index
      %parallel_loop3A_101 = arith.constant 16 : index
      %parallel_loop3A_102 = tpu.vector_load %arg4[%parallel_loop3A_99, %parallel_loop3A_100, %parallel_loop3A_101] {strides = array<i32>} : memref<98x4x128xf32, #tpu.memory_space<vmem>>, vector<16xf32>,
      %parallel_loop3A_103 = arith.constant 2 : i32
      %parallel_loop3A_104 = arith.index_cast %parallel_loop3A_28 : i32 to index
      %parallel_loop3A_105 = arith.index_cast %parallel_loop3A_103 : i32 to index
      %parallel_loop3A_106 = arith.constant 16 : index
      %parallel_loop3A_107 = tpu.vector_load %arg4[%parallel_loop3A_104, %parallel_loop3A_105, %parallel_loop3A_106] {strides = array<i32>} : memref<98x4x128xf32, #tpu.memory_space<vmem>>, vector<16xf32>,
      %parallel_loop3A_108 = arith.constant 3 : i32
      %parallel_loop3A_109 = arith.index_cast %parallel_loop3A_28 : i32 to index
      %parallel_loop3A_110 = arith.index_cast %parallel_loop3A_108 : i32 to index
      %parallel_loop3A_111 = arith.constant 16 : index
      %parallel_loop3A_112 = tpu.vector_load %arg4[%parallel_loop3A_109, %parallel_loop3A_110, %parallel_loop3A_111] {strides = array<i32>} : memref<98x4x128xf32, #tpu.memory_space<vmem>>, vector<16xf32>,
      %parallel_loop3A_113 = arith.constant 0.000000e+00 : f32
      %parallel_loop3A_114 = vector.broadcast %parallel_loop3A_113 : f32 to vector<16xf32>
      %parallel_loop3A_115 = arith.cmpf oge, %parallel_loop3A_97, %parallel_loop3A_114 : vector<16xf32>
      %parallel_loop3A_116 = arith.constant 7.040000e+01 : f32
      %parallel_loop3A_117 = vector.broadcast %parallel_loop3A_116 : f32 to vector<16xf32>
      %parallel_loop3A_118 = arith.cmpf ole, %parallel_loop3A_97, %parallel_loop3A_117 : vector<16xf32>
      %parallel_loop3A_119 = arith.andi %parallel_loop3A_115, %parallel_loop3A_118 : vector<16xi1>
      %parallel_loop3A_120 = arith.constant -4.000000e+01 : f32
      %parallel_loop3A_121 = vector.broadcast %parallel_loop3A_120 : f32 to vector<16xf32>
      %parallel_loop3A_122 = arith.cmpf oge, %parallel_loop3A_102, %parallel_loop3A_121 : vector<16xf32>
      %parallel_loop3A_123 = arith.andi %parallel_loop3A_119, %parallel_loop3A_122 : vector<16xi1>
      %parallel_loop3A_124 = arith.constant 4.000000e+01 : f32
      %parallel_loop3A_125 = vector.broadcast %parallel_loop3A_124 : f32 to vector<16xf32>
      %parallel_loop3A_126 = arith.cmpf ole, %parallel_loop3A_102, %parallel_loop3A_125 : vector<16xf32>
      %parallel_loop3A_127 = arith.andi %parallel_loop3A_123, %parallel_loop3A_126 : vector<16xi1>
      %parallel_loop3A_128 = arith.constant 1.000000e+00 : f32
      %parallel_loop3A_129 = arith.constant 0.000000e+00 : f32
      %parallel_loop3A_130 = vector.broadcast %parallel_loop3A_128 : f32 to vector<16xf32>
      %parallel_loop3A_131 = vector.broadcast %parallel_loop3A_129 : f32 to vector<16xf32>
      %parallel_loop3A_132 = arith.select %parallel_loop3A_127, %parallel_loop3A_130, %parallel_loop3A_131 : vector<16xi1>, vector<16xf32>
      %parallel_loop3A_133 = arith.mulf %parallel_loop3A_97, %parallel_loop3A_132 : vector<16xf32>
      %parallel_loop3A_134 = arith.constant 0 : i32
      %parallel_loop3A_135 = arith.index_cast %parallel_loop3A_28 : i32 to index
      %parallel_loop3A_136 = arith.index_cast %parallel_loop3A_134 : i32 to index
      %parallel_loop3A_137 = arith.constant 16 : index
      %parallel_loop3A_138 = tpu.vector_load %arg5[%parallel_loop3A_135, %parallel_loop3A_136, %parallel_loop3A_137] {strides = array<i32>} : memref<98x4x128xf32, #tpu.memory_space<vmem>>, vector<16xf32>,
      tpu.vector_store %arg5[%parallel_loop3A_135, %parallel_loop3A_136, %parallel_loop3A_137], %parallel_loop3A_133 {strides = array<i32>} : memref<98x4x128xf32, #tpu.memory_space<vmem>>, vector<16xf32>,
      %parallel_loop3A_139 = arith.mulf %parallel_loop3A_102, %parallel_loop3A_132 : vector<16xf32>
      %parallel_loop3A_140 = arith.constant 1 : i32
      %parallel_loop3A_141 = arith.index_cast %parallel_loop3A_28 : i32 to index
      %parallel_loop3A_142 = arith.index_cast %parallel_loop3A_140 : i32 to index
      %parallel_loop3A_143 = arith.constant 16 : index
      %parallel_loop3A_144 = tpu.vector_load %arg5[%parallel_loop3A_141, %parallel_loop3A_142, %parallel_loop3A_143] {strides = array<i32>} : memref<98x4x128xf32, #tpu.memory_space<vmem>>, vector<16xf32>,
      tpu.vector_store %arg5[%parallel_loop3A_141, %parallel_loop3A_142, %parallel_loop3A_143], %parallel_loop3A_139 {strides = array<i32>} : memref<98x4x128xf32, #tpu.memory_space<vmem>>, vector<16xf32>,
      %parallel_loop3A_145 = arith.mulf %parallel_loop3A_107, %parallel_loop3A_132 : vector<16xf32>
      %parallel_loop3A_146 = arith.constant 2 : i32
      %parallel_loop3A_147 = arith.index_cast %parallel_loop3A_28 : i32 to index
      %parallel_loop3A_148 = arith.index_cast %parallel_loop3A_146 : i32 to index
      %parallel_loop3A_149 = arith.constant 16 : index
      %parallel_loop3A_150 = tpu.vector_load %arg5[%parallel_loop3A_147, %parallel_loop3A_148, %parallel_loop3A_149] {strides = array<i32>} : memref<98x4x128xf32, #tpu.memory_space<vmem>>, vector<16xf32>,
      tpu.vector_store %arg5[%parallel_loop3A_147, %parallel_loop3A_148, %parallel_loop3A_149], %parallel_loop3A_145 {strides = array<i32>} : memref<98x4x128xf32, #tpu.memory_space<vmem>>, vector<16xf32>,
      %parallel_loop3A_151 = arith.mulf %parallel_loop3A_112, %parallel_loop3A_132 : vector<16xf32>
      %parallel_loop3A_152 = arith.constant 3 : i32
      %parallel_loop3A_153 = arith.index_cast %parallel_loop3A_28 : i32 to index
      %parallel_loop3A_154 = arith.index_cast %parallel_loop3A_152 : i32 to index
      %parallel_loop3A_155 = arith.constant 16 : index
      %parallel_loop3A_156 = tpu.vector_load %arg5[%parallel_loop3A_153, %parallel_loop3A_154, %parallel_loop3A_155] {strides = array<i32>} : memref<98x4x128xf32, #tpu.memory_space<vmem>>, vector<16xf32>,
      tpu.vector_store %arg5[%parallel_loop3A_153, %parallel_loop3A_154, %parallel_loop3A_155], %parallel_loop3A_151 {strides = array<i32>} : memref<98x4x128xf32, #tpu.memory_space<vmem>>, vector<16xf32>,
      %parallel_loop3A_157 = arith.constant 0 : i32
      %parallel_loop3A_158 = arith.index_cast %parallel_loop3A_28 : i32 to index
      %parallel_loop3A_159 = arith.index_cast %parallel_loop3A_157 : i32 to index
      %parallel_loop3A_160 = arith.constant 32 : index
      %parallel_loop3A_161 = tpu.vector_load %arg4[%parallel_loop3A_158, %parallel_loop3A_159, %parallel_loop3A_160] {strides = array<i32>} : memref<98x4x128xf32, #tpu.memory_space<vmem>>, vector<16xf32>,
      %parallel_loop3A_162 = arith.constant 1 : i32
      %parallel_loop3A_163 = arith.index_cast %parallel_loop3A_28 : i32 to index
      %parallel_loop3A_164 = arith.index_cast %parallel_loop3A_162 : i32 to index
      %parallel_loop3A_165 = arith.constant 32 : index
      %parallel_loop3A_166 = tpu.vector_load %arg4[%parallel_loop3A_163, %parallel_loop3A_164, %parallel_loop3A_165] {strides = array<i32>} : memref<98x4x128xf32, #tpu.memory_space<vmem>>, vector<16xf32>,
      %parallel_loop3A_167 = arith.constant 2 : i32
      %parallel_loop3A_168 = arith.index_cast %parallel_loop3A_28 : i32 to index
      %parallel_loop3A_169 = arith.index_cast %parallel_loop3A_167 : i32 to index
      %parallel_loop3A_170 = arith.constant 32 : index
      %parallel_loop3A_171 = tpu.vector_load %arg4[%parallel_loop3A_168, %parallel_loop3A_169, %parallel_loop3A_170] {strides = array<i32>} : memref<98x4x128xf32, #tpu.memory_space<vmem>>, vector<16xf32>,
      %parallel_loop3A_172 = arith.constant 3 : i32
      %parallel_loop3A_173 = arith.index_cast %parallel_loop3A_28 : i32 to index
      %parallel_loop3A_174 = arith.index_cast %parallel_loop3A_172 : i32 to index
      %parallel_loop3A_175 = arith.constant 32 : index
      %parallel_loop3A_176 = tpu.vector_load %arg4[%parallel_loop3A_173, %parallel_loop3A_174, %parallel_loop3A_175] {strides = array<i32>} : memref<98x4x128xf32, #tpu.memory_space<vmem>>, vector<16xf32>,
      %parallel_loop3A_177 = arith.constant 0.000000e+00 : f32
      %parallel_loop3A_178 = vector.broadcast %parallel_loop3A_177 : f32 to vector<16xf32>
      %parallel_loop3A_179 = arith.cmpf oge, %parallel_loop3A_161, %parallel_loop3A_178 : vector<16xf32>
      %parallel_loop3A_180 = arith.constant 7.040000e+01 : f32
      %parallel_loop3A_181 = vector.broadcast %parallel_loop3A_180 : f32 to vector<16xf32>
      %parallel_loop3A_182 = arith.cmpf ole, %parallel_loop3A_161, %parallel_loop3A_181 : vector<16xf32>
      %parallel_loop3A_183 = arith.andi %parallel_loop3A_179, %parallel_loop3A_182 : vector<16xi1>
      %parallel_loop3A_184 = arith.constant -4.000000e+01 : f32
      %parallel_loop3A_185 = vector.broadcast %parallel_loop3A_184 : f32 to vector<16xf32>
      %parallel_loop3A_186 = arith.cmpf oge, %parallel_loop3A_166, %parallel_loop3A_185 : vector<16xf32>
      %parallel_loop3A_187 = arith.andi %parallel_loop3A_183, %parallel_loop3A_186 : vector<16xi1>
      %parallel_loop3A_188 = arith.constant 4.000000e+01 : f32
      %parallel_loop3A_189 = vector.broadcast %parallel_loop3A_188 : f32 to vector<16xf32>
      %parallel_loop3A_190 = arith.cmpf ole, %parallel_loop3A_166, %parallel_loop3A_189 : vector<16xf32>
      %parallel_loop3A_191 = arith.andi %parallel_loop3A_187, %parallel_loop3A_190 : vector<16xi1>
      %parallel_loop3A_192 = arith.constant 1.000000e+00 : f32
      %parallel_loop3A_193 = arith.constant 0.000000e+00 : f32
      %parallel_loop3A_194 = vector.broadcast %parallel_loop3A_192 : f32 to vector<16xf32>
      %parallel_loop3A_195 = vector.broadcast %parallel_loop3A_193 : f32 to vector<16xf32>
      %parallel_loop3A_196 = arith.select %parallel_loop3A_191, %parallel_loop3A_194, %parallel_loop3A_195 : vector<16xi1>, vector<16xf32>
      %parallel_loop3A_197 = arith.mulf %parallel_loop3A_161, %parallel_loop3A_196 : vector<16xf32>
      %parallel_loop3A_198 = arith.constant 0 : i32
      %parallel_loop3A_199 = arith.index_cast %parallel_loop3A_28 : i32 to index
      %parallel_loop3A_200 = arith.index_cast %parallel_loop3A_198 : i32 to index
      %parallel_loop3A_201 = arith.constant 32 : index
      %parallel_loop3A_202 = tpu.vector_load %arg5[%parallel_loop3A_199, %parallel_loop3A_200, %parallel_loop3A_201] {strides = array<i32>} : memref<98x4x128xf32, #tpu.memory_space<vmem>>, vector<16xf32>,
      tpu.vector_store %arg5[%parallel_loop3A_199, %parallel_loop3A_200, %parallel_loop3A_201], %parallel_loop3A_197 {strides = array<i32>} : memref<98x4x128xf32, #tpu.memory_space<vmem>>, vector<16xf32>,
      %parallel_loop3A_203 = arith.mulf %parallel_loop3A_166, %parallel_loop3A_196 : vector<16xf32>
      %parallel_loop3A_204 = arith.constant 1 : i32
      %parallel_loop3A_205 = arith.index_cast %parallel_loop3A_28 : i32 to index
      %parallel_loop3A_206 = arith.index_cast %parallel_loop3A_204 : i32 to index
      %parallel_loop3A_207 = arith.constant 32 : index
      %parallel_loop3A_208 = tpu.vector_load %arg5[%parallel_loop3A_205, %parallel_loop3A_206, %parallel_loop3A_207] {strides = array<i32>} : memref<98x4x128xf32, #tpu.memory_space<vmem>>, vector<16xf32>,
      tpu.vector_store %arg5[%parallel_loop3A_205, %parallel_loop3A_206, %parallel_loop3A_207], %parallel_loop3A_203 {strides = array<i32>} : memref<98x4x128xf32, #tpu.memory_space<vmem>>, vector<16xf32>,
      %parallel_loop3A_209 = arith.mulf %parallel_loop3A_171, %parallel_loop3A_196 : vector<16xf32>
      %parallel_loop3A_210 = arith.constant 2 : i32
      %parallel_loop3A_211 = arith.index_cast %parallel_loop3A_28 : i32 to index
      %parallel_loop3A_212 = arith.index_cast %parallel_loop3A_210 : i32 to index
      %parallel_loop3A_213 = arith.constant 32 : index
      %parallel_loop3A_214 = tpu.vector_load %arg5[%parallel_loop3A_211, %parallel_loop3A_212, %parallel_loop3A_213] {strides = array<i32>} : memref<98x4x128xf32, #tpu.memory_space<vmem>>, vector<16xf32>,
      tpu.vector_store %arg5[%parallel_loop3A_211, %parallel_loop3A_212, %parallel_loop3A_213], %parallel_loop3A_209 {strides = array<i32>} : memref<98x4x128xf32, #tpu.memory_space<vmem>>, vector<16xf32>,
      %parallel_loop3A_215 = arith.mulf %parallel_loop3A_176, %parallel_loop3A_196 : vector<16xf32>
      %parallel_loop3A_216 = arith.constant 3 : i32
      %parallel_loop3A_217 = arith.index_cast %parallel_loop3A_28 : i32 to index
      %parallel_loop3A_218 = arith.index_cast %parallel_loop3A_216 : i32 to index
      %parallel_loop3A_219 = arith.constant 32 : index
      %parallel_loop3A_220 = tpu.vector_load %arg5[%parallel_loop3A_217, %parallel_loop3A_218, %parallel_loop3A_219] {strides = array<i32>} : memref<98x4x128xf32, #tpu.memory_space<vmem>>, vector<16xf32>,
      tpu.vector_store %arg5[%parallel_loop3A_217, %parallel_loop3A_218, %parallel_loop3A_219], %parallel_loop3A_215 {strides = array<i32>} : memref<98x4x128xf32, #tpu.memory_space<vmem>>, vector<16xf32>,
      %parallel_loop3A_221 = arith.constant 0 : i32
      %parallel_loop3A_222 = arith.index_cast %parallel_loop3A_28 : i32 to index
      %parallel_loop3A_223 = arith.index_cast %parallel_loop3A_221 : i32 to index
      %parallel_loop3A_224 = arith.constant 48 : index
      %parallel_loop3A_225 = tpu.vector_load %arg4[%parallel_loop3A_222, %parallel_loop3A_223, %parallel_loop3A_224] {strides = array<i32>} : memref<98x4x128xf32, #tpu.memory_space<vmem>>, vector<16xf32>,
      %parallel_loop3A_226 = arith.constant 1 : i32
      %parallel_loop3A_227 = arith.index_cast %parallel_loop3A_28 : i32 to index
      %parallel_loop3A_228 = arith.index_cast %parallel_loop3A_226 : i32 to index
      %parallel_loop3A_229 = arith.constant 48 : index
      %parallel_loop3A_230 = tpu.vector_load %arg4[%parallel_loop3A_227, %parallel_loop3A_228, %parallel_loop3A_229] {strides = array<i32>} : memref<98x4x128xf32, #tpu.memory_space<vmem>>, vector<16xf32>,
      %parallel_loop3A_231 = arith.constant 2 : i32
      %parallel_loop3A_232 = arith.index_cast %parallel_loop3A_28 : i32 to index
      %parallel_loop3A_233 = arith.index_cast %parallel_loop3A_231 : i32 to index
      %parallel_loop3A_234 = arith.constant 48 : index
      %parallel_loop3A_235 = tpu.vector_load %arg4[%parallel_loop3A_232, %parallel_loop3A_233, %parallel_loop3A_234] {strides = array<i32>} : memref<98x4x128xf32, #tpu.memory_space<vmem>>, vector<16xf32>,
      %parallel_loop3A_236 = arith.constant 3 : i32
      %parallel_loop3A_237 = arith.index_cast %parallel_loop3A_28 : i32 to index
      %parallel_loop3A_238 = arith.index_cast %parallel_loop3A_236 : i32 to index
      %parallel_loop3A_239 = arith.constant 48 : index
      %parallel_loop3A_240 = tpu.vector_load %arg4[%parallel_loop3A_237, %parallel_loop3A_238, %parallel_loop3A_239] {strides = array<i32>} : memref<98x4x128xf32, #tpu.memory_space<vmem>>, vector<16xf32>,
      %parallel_loop3A_241 = arith.constant 0.000000e+00 : f32
      %parallel_loop3A_242 = vector.broadcast %parallel_loop3A_241 : f32 to vector<16xf32>
      %parallel_loop3A_243 = arith.cmpf oge, %parallel_loop3A_225, %parallel_loop3A_242 : vector<16xf32>
      %parallel_loop3A_244 = arith.constant 7.040000e+01 : f32
      %parallel_loop3A_245 = vector.broadcast %parallel_loop3A_244 : f32 to vector<16xf32>
      %parallel_loop3A_246 = arith.cmpf ole, %parallel_loop3A_225, %parallel_loop3A_245 : vector<16xf32>
      %parallel_loop3A_247 = arith.andi %parallel_loop3A_243, %parallel_loop3A_246 : vector<16xi1>
      %parallel_loop3A_248 = arith.constant -4.000000e+01 : f32
      %parallel_loop3A_249 = vector.broadcast %parallel_loop3A_248 : f32 to vector<16xf32>
      %parallel_loop3A_250 = arith.cmpf oge, %parallel_loop3A_230, %parallel_loop3A_249 : vector<16xf32>
      %parallel_loop3A_251 = arith.andi %parallel_loop3A_247, %parallel_loop3A_250 : vector<16xi1>
      %parallel_loop3A_252 = arith.constant 4.000000e+01 : f32
      %parallel_loop3A_253 = vector.broadcast %parallel_loop3A_252 : f32 to vector<16xf32>
      %parallel_loop3A_254 = arith.cmpf ole, %parallel_loop3A_230, %parallel_loop3A_253 : vector<16xf32>
      %parallel_loop3A_255 = arith.andi %parallel_loop3A_251, %parallel_loop3A_254 : vector<16xi1>
      %parallel_loop3A_256 = arith.constant 1.000000e+00 : f32
      %parallel_loop3A_257 = arith.constant 0.000000e+00 : f32
      %parallel_loop3A_258 = vector.broadcast %parallel_loop3A_256 : f32 to vector<16xf32>
      %parallel_loop3A_259 = vector.broadcast %parallel_loop3A_257 : f32 to vector<16xf32>
      %parallel_loop3A_260 = arith.select %parallel_loop3A_255, %parallel_loop3A_258, %parallel_loop3A_259 : vector<16xi1>, vector<16xf32>
      %parallel_loop3A_261 = arith.mulf %parallel_loop3A_225, %parallel_loop3A_260 : vector<16xf32>
      %parallel_loop3A_262 = arith.constant 0 : i32
      %parallel_loop3A_263 = arith.index_cast %parallel_loop3A_28 : i32 to index
      %parallel_loop3A_264 = arith.index_cast %parallel_loop3A_262 : i32 to index
      %parallel_loop3A_265 = arith.constant 48 : index
      %parallel_loop3A_266 = tpu.vector_load %arg5[%parallel_loop3A_263, %parallel_loop3A_264, %parallel_loop3A_265] {strides = array<i32>} : memref<98x4x128xf32, #tpu.memory_space<vmem>>, vector<16xf32>,
      tpu.vector_store %arg5[%parallel_loop3A_263, %parallel_loop3A_264, %parallel_loop3A_265], %parallel_loop3A_261 {strides = array<i32>} : memref<98x4x128xf32, #tpu.memory_space<vmem>>, vector<16xf32>,
      %parallel_loop3A_267 = arith.mulf %parallel_loop3A_230, %parallel_loop3A_260 : vector<16xf32>
      %parallel_loop3A_268 = arith.constant 1 : i32
      %parallel_loop3A_269 = arith.index_cast %parallel_loop3A_28 : i32 to index
      %parallel_loop3A_270 = arith.index_cast %parallel_loop3A_268 : i32 to index
      %parallel_loop3A_271 = arith.constant 48 : index
      %parallel_loop3A_272 = tpu.vector_load %arg5[%parallel_loop3A_269, %parallel_loop3A_270, %parallel_loop3A_271] {strides = array<i32>} : memref<98x4x128xf32, #tpu.memory_space<vmem>>, vector<16xf32>,
      tpu.vector_store %arg5[%parallel_loop3A_269, %parallel_loop3A_270, %parallel_loop3A_271], %parallel_loop3A_267 {strides = array<i32>} : memref<98x4x128xf32, #tpu.memory_space<vmem>>, vector<16xf32>,
      %parallel_loop3A_273 = arith.mulf %parallel_loop3A_235, %parallel_loop3A_260 : vector<16xf32>
      %parallel_loop3A_274 = arith.constant 2 : i32
      %parallel_loop3A_275 = arith.index_cast %parallel_loop3A_28 : i32 to index
      %parallel_loop3A_276 = arith.index_cast %parallel_loop3A_274 : i32 to index
      %parallel_loop3A_277 = arith.constant 48 : index
      %parallel_loop3A_278 = tpu.vector_load %arg5[%parallel_loop3A_275, %parallel_loop3A_276, %parallel_loop3A_277] {strides = array<i32>} : memref<98x4x128xf32, #tpu.memory_space<vmem>>, vector<16xf32>,
      tpu.vector_store %arg5[%parallel_loop3A_275, %parallel_loop3A_276, %parallel_loop3A_277], %parallel_loop3A_273 {strides = array<i32>} : memref<98x4x128xf32, #tpu.memory_space<vmem>>, vector<16xf32>,
      %parallel_loop3A_279 = arith.mulf %parallel_loop3A_240, %parallel_loop3A_260 : vector<16xf32>
      %parallel_loop3A_280 = arith.constant 3 : i32
      %parallel_loop3A_281 = arith.index_cast %parallel_loop3A_28 : i32 to index
      %parallel_loop3A_282 = arith.index_cast %parallel_loop3A_280 : i32 to index
      %parallel_loop3A_283 = arith.constant 48 : index
      %parallel_loop3A_284 = tpu.vector_load %arg5[%parallel_loop3A_281, %parallel_loop3A_282, %parallel_loop3A_283] {strides = array<i32>} : memref<98x4x128xf32, #tpu.memory_space<vmem>>, vector<16xf32>,
      tpu.vector_store %arg5[%parallel_loop3A_281, %parallel_loop3A_282, %parallel_loop3A_283], %parallel_loop3A_279 {strides = array<i32>} : memref<98x4x128xf32, #tpu.memory_space<vmem>>, vector<16xf32>,
      %parallel_loop3A_285 = arith.constant 0 : i32
      %parallel_loop3A_286 = arith.index_cast %parallel_loop3A_28 : i32 to index
      %parallel_loop3A_287 = arith.index_cast %parallel_loop3A_285 : i32 to index
      %parallel_loop3A_288 = arith.constant 64 : index
      %parallel_loop3A_289 = tpu.vector_load %arg4[%parallel_loop3A_286, %parallel_loop3A_287, %parallel_loop3A_288] {strides = array<i32>} : memref<98x4x128xf32, #tpu.memory_space<vmem>>, vector<16xf32>,
      %parallel_loop3A_290 = arith.constant 1 : i32
      %parallel_loop3A_291 = arith.index_cast %parallel_loop3A_28 : i32 to index
      %parallel_loop3A_292 = arith.index_cast %parallel_loop3A_290 : i32 to index
      %parallel_loop3A_293 = arith.constant 64 : index
      %parallel_loop3A_294 = tpu.vector_load %arg4[%parallel_loop3A_291, %parallel_loop3A_292, %parallel_loop3A_293] {strides = array<i32>} : memref<98x4x128xf32, #tpu.memory_space<vmem>>, vector<16xf32>,
      %parallel_loop3A_295 = arith.constant 2 : i32
      %parallel_loop3A_296 = arith.index_cast %parallel_loop3A_28 : i32 to index
      %parallel_loop3A_297 = arith.index_cast %parallel_loop3A_295 : i32 to index
      %parallel_loop3A_298 = arith.constant 64 : index
      %parallel_loop3A_299 = tpu.vector_load %arg4[%parallel_loop3A_296, %parallel_loop3A_297, %parallel_loop3A_298] {strides = array<i32>} : memref<98x4x128xf32, #tpu.memory_space<vmem>>, vector<16xf32>,
      %parallel_loop3A_300 = arith.constant 3 : i32
      %parallel_loop3A_301 = arith.index_cast %parallel_loop3A_28 : i32 to index
      %parallel_loop3A_302 = arith.index_cast %parallel_loop3A_300 : i32 to index
      %parallel_loop3A_303 = arith.constant 64 : index
      %parallel_loop3A_304 = tpu.vector_load %arg4[%parallel_loop3A_301, %parallel_loop3A_302, %parallel_loop3A_303] {strides = array<i32>} : memref<98x4x128xf32, #tpu.memory_space<vmem>>, vector<16xf32>,
      %parallel_loop3A_305 = arith.constant 0.000000e+00 : f32
      %parallel_loop3A_306 = vector.broadcast %parallel_loop3A_305 : f32 to vector<16xf32>
      %parallel_loop3A_307 = arith.cmpf oge, %parallel_loop3A_289, %parallel_loop3A_306 : vector<16xf32>
      %parallel_loop3A_308 = arith.constant 7.040000e+01 : f32
      %parallel_loop3A_309 = vector.broadcast %parallel_loop3A_308 : f32 to vector<16xf32>
      %parallel_loop3A_310 = arith.cmpf ole, %parallel_loop3A_289, %parallel_loop3A_309 : vector<16xf32>
      %parallel_loop3A_311 = arith.andi %parallel_loop3A_307, %parallel_loop3A_310 : vector<16xi1>
      %parallel_loop3A_312 = arith.constant -4.000000e+01 : f32
      %parallel_loop3A_313 = vector.broadcast %parallel_loop3A_312 : f32 to vector<16xf32>
      %parallel_loop3A_314 = arith.cmpf oge, %parallel_loop3A_294, %parallel_loop3A_313 : vector<16xf32>
      %parallel_loop3A_315 = arith.andi %parallel_loop3A_311, %parallel_loop3A_314 : vector<16xi1>
      %parallel_loop3A_316 = arith.constant 4.000000e+01 : f32
      %parallel_loop3A_317 = vector.broadcast %parallel_loop3A_316 : f32 to vector<16xf32>
      %parallel_loop3A_318 = arith.cmpf ole, %parallel_loop3A_294, %parallel_loop3A_317 : vector<16xf32>
      %parallel_loop3A_319 = arith.andi %parallel_loop3A_315, %parallel_loop3A_318 : vector<16xi1>
      %parallel_loop3A_320 = arith.constant 1.000000e+00 : f32
      %parallel_loop3A_321 = arith.constant 0.000000e+00 : f32
      %parallel_loop3A_322 = vector.broadcast %parallel_loop3A_320 : f32 to vector<16xf32>
      %parallel_loop3A_323 = vector.broadcast %parallel_loop3A_321 : f32 to vector<16xf32>
      %parallel_loop3A_324 = arith.select %parallel_loop3A_319, %parallel_loop3A_322, %parallel_loop3A_323 : vector<16xi1>, vector<16xf32>
      %parallel_loop3A_325 = arith.mulf %parallel_loop3A_289, %parallel_loop3A_324 : vector<16xf32>
      %parallel_loop3A_326 = arith.constant 0 : i32
      %parallel_loop3A_327 = arith.index_cast %parallel_loop3A_28 : i32 to index
      %parallel_loop3A_328 = arith.index_cast %parallel_loop3A_326 : i32 to index
      %parallel_loop3A_329 = arith.constant 64 : index
      %parallel_loop3A_330 = tpu.vector_load %arg5[%parallel_loop3A_327, %parallel_loop3A_328, %parallel_loop3A_329] {strides = array<i32>} : memref<98x4x128xf32, #tpu.memory_space<vmem>>, vector<16xf32>,
      tpu.vector_store %arg5[%parallel_loop3A_327, %parallel_loop3A_328, %parallel_loop3A_329], %parallel_loop3A_325 {strides = array<i32>} : memref<98x4x128xf32, #tpu.memory_space<vmem>>, vector<16xf32>,
      %parallel_loop3A_331 = arith.mulf %parallel_loop3A_294, %parallel_loop3A_324 : vector<16xf32>
      %parallel_loop3A_332 = arith.constant 1 : i32
      %parallel_loop3A_333 = arith.index_cast %parallel_loop3A_28 : i32 to index
      %parallel_loop3A_334 = arith.index_cast %parallel_loop3A_332 : i32 to index
      %parallel_loop3A_335 = arith.constant 64 : index
      %parallel_loop3A_336 = tpu.vector_load %arg5[%parallel_loop3A_333, %parallel_loop3A_334, %parallel_loop3A_335] {strides = array<i32>} : memref<98x4x128xf32, #tpu.memory_space<vmem>>, vector<16xf32>,
      tpu.vector_store %arg5[%parallel_loop3A_333, %parallel_loop3A_334, %parallel_loop3A_335], %parallel_loop3A_331 {strides = array<i32>} : memref<98x4x128xf32, #tpu.memory_space<vmem>>, vector<16xf32>,
      %parallel_loop3A_337 = arith.mulf %parallel_loop3A_299, %parallel_loop3A_324 : vector<16xf32>
      %parallel_loop3A_338 = arith.constant 2 : i32
      %parallel_loop3A_339 = arith.index_cast %parallel_loop3A_28 : i32 to index
      %parallel_loop3A_340 = arith.index_cast %parallel_loop3A_338 : i32 to index
      %parallel_loop3A_341 = arith.constant 64 : index
      %parallel_loop3A_342 = tpu.vector_load %arg5[%parallel_loop3A_339, %parallel_loop3A_340, %parallel_loop3A_341] {strides = array<i32>} : memref<98x4x128xf32, #tpu.memory_space<vmem>>, vector<16xf32>,
      tpu.vector_store %arg5[%parallel_loop3A_339, %parallel_loop3A_340, %parallel_loop3A_341], %parallel_loop3A_337 {strides = array<i32>} : memref<98x4x128xf32, #tpu.memory_space<vmem>>, vector<16xf32>,
      %parallel_loop3A_343 = arith.mulf %parallel_loop3A_304, %parallel_loop3A_324 : vector<16xf32>
      %parallel_loop3A_344 = arith.constant 3 : i32
      %parallel_loop3A_345 = arith.index_cast %parallel_loop3A_28 : i32 to index
      %parallel_loop3A_346 = arith.index_cast %parallel_loop3A_344 : i32 to index
      %parallel_loop3A_347 = arith.constant 64 : index
      %parallel_loop3A_348 = tpu.vector_load %arg5[%parallel_loop3A_345, %parallel_loop3A_346, %parallel_loop3A_347] {strides = array<i32>} : memref<98x4x128xf32, #tpu.memory_space<vmem>>, vector<16xf32>,
      tpu.vector_store %arg5[%parallel_loop3A_345, %parallel_loop3A_346, %parallel_loop3A_347], %parallel_loop3A_343 {strides = array<i32>} : memref<98x4x128xf32, #tpu.memory_space<vmem>>, vector<16xf32>,
      %parallel_loop3A_349 = arith.constant 0 : i32
      %parallel_loop3A_350 = arith.index_cast %parallel_loop3A_28 : i32 to index
      %parallel_loop3A_351 = arith.index_cast %parallel_loop3A_349 : i32 to index
      %parallel_loop3A_352 = arith.constant 80 : index
      %parallel_loop3A_353 = tpu.vector_load %arg4[%parallel_loop3A_350, %parallel_loop3A_351, %parallel_loop3A_352] {strides = array<i32>} : memref<98x4x128xf32, #tpu.memory_space<vmem>>, vector<16xf32>,
      %parallel_loop3A_354 = arith.constant 1 : i32
      %parallel_loop3A_355 = arith.index_cast %parallel_loop3A_28 : i32 to index
      %parallel_loop3A_356 = arith.index_cast %parallel_loop3A_354 : i32 to index
      %parallel_loop3A_357 = arith.constant 80 : index
      %parallel_loop3A_358 = tpu.vector_load %arg4[%parallel_loop3A_355, %parallel_loop3A_356, %parallel_loop3A_357] {strides = array<i32>} : memref<98x4x128xf32, #tpu.memory_space<vmem>>, vector<16xf32>,
      %parallel_loop3A_359 = arith.constant 2 : i32
      %parallel_loop3A_360 = arith.index_cast %parallel_loop3A_28 : i32 to index
      %parallel_loop3A_361 = arith.index_cast %parallel_loop3A_359 : i32 to index
      %parallel_loop3A_362 = arith.constant 80 : index
      %parallel_loop3A_363 = tpu.vector_load %arg4[%parallel_loop3A_360, %parallel_loop3A_361, %parallel_loop3A_362] {strides = array<i32>} : memref<98x4x128xf32, #tpu.memory_space<vmem>>, vector<16xf32>,
      %parallel_loop3A_364 = arith.constant 3 : i32
      %parallel_loop3A_365 = arith.index_cast %parallel_loop3A_28 : i32 to index
      %parallel_loop3A_366 = arith.index_cast %parallel_loop3A_364 : i32 to index
      %parallel_loop3A_367 = arith.constant 80 : index
      %parallel_loop3A_368 = tpu.vector_load %arg4[%parallel_loop3A_365, %parallel_loop3A_366, %parallel_loop3A_367] {strides = array<i32>} : memref<98x4x128xf32, #tpu.memory_space<vmem>>, vector<16xf32>,
      %parallel_loop3A_369 = arith.constant 0.000000e+00 : f32
      %parallel_loop3A_370 = vector.broadcast %parallel_loop3A_369 : f32 to vector<16xf32>
      %parallel_loop3A_371 = arith.cmpf oge, %parallel_loop3A_353, %parallel_loop3A_370 : vector<16xf32>
      %parallel_loop3A_372 = arith.constant 7.040000e+01 : f32
      %parallel_loop3A_373 = vector.broadcast %parallel_loop3A_372 : f32 to vector<16xf32>
      %parallel_loop3A_374 = arith.cmpf ole, %parallel_loop3A_353, %parallel_loop3A_373 : vector<16xf32>
      %parallel_loop3A_375 = arith.andi %parallel_loop3A_371, %parallel_loop3A_374 : vector<16xi1>
      %parallel_loop3A_376 = arith.constant -4.000000e+01 : f32
      %parallel_loop3A_377 = vector.broadcast %parallel_loop3A_376 : f32 to vector<16xf32>
      %parallel_loop3A_378 = arith.cmpf oge, %parallel_loop3A_358, %parallel_loop3A_377 : vector<16xf32>
      %parallel_loop3A_379 = arith.andi %parallel_loop3A_375, %parallel_loop3A_378 : vector<16xi1>
      %parallel_loop3A_380 = arith.constant 4.000000e+01 : f32
      %parallel_loop3A_381 = vector.broadcast %parallel_loop3A_380 : f32 to vector<16xf32>
      %parallel_loop3A_382 = arith.cmpf ole, %parallel_loop3A_358, %parallel_loop3A_381 : vector<16xf32>
      %parallel_loop3A_383 = arith.andi %parallel_loop3A_379, %parallel_loop3A_382 : vector<16xi1>
      %parallel_loop3A_384 = arith.constant 1.000000e+00 : f32
      %parallel_loop3A_385 = arith.constant 0.000000e+00 : f32
      %parallel_loop3A_386 = vector.broadcast %parallel_loop3A_384 : f32 to vector<16xf32>
      %parallel_loop3A_387 = vector.broadcast %parallel_loop3A_385 : f32 to vector<16xf32>
      %parallel_loop3A_388 = arith.select %parallel_loop3A_383, %parallel_loop3A_386, %parallel_loop3A_387 : vector<16xi1>, vector<16xf32>
      %parallel_loop3A_389 = arith.mulf %parallel_loop3A_353, %parallel_loop3A_388 : vector<16xf32>
      %parallel_loop3A_390 = arith.constant 0 : i32
      %parallel_loop3A_391 = arith.index_cast %parallel_loop3A_28 : i32 to index
      %parallel_loop3A_392 = arith.index_cast %parallel_loop3A_390 : i32 to index
      %parallel_loop3A_393 = arith.constant 80 : index
      %parallel_loop3A_394 = tpu.vector_load %arg5[%parallel_loop3A_391, %parallel_loop3A_392, %parallel_loop3A_393] {strides = array<i32>} : memref<98x4x128xf32, #tpu.memory_space<vmem>>, vector<16xf32>,
      tpu.vector_store %arg5[%parallel_loop3A_391, %parallel_loop3A_392, %parallel_loop3A_393], %parallel_loop3A_389 {strides = array<i32>} : memref<98x4x128xf32, #tpu.memory_space<vmem>>, vector<16xf32>,
      %parallel_loop3A_395 = arith.mulf %parallel_loop3A_358, %parallel_loop3A_388 : vector<16xf32>
      %parallel_loop3A_396 = arith.constant 1 : i32
      %parallel_loop3A_397 = arith.index_cast %parallel_loop3A_28 : i32 to index
      %parallel_loop3A_398 = arith.index_cast %parallel_loop3A_396 : i32 to index
      %parallel_loop3A_399 = arith.constant 80 : index
      %parallel_loop3A_400 = tpu.vector_load %arg5[%parallel_loop3A_397, %parallel_loop3A_398, %parallel_loop3A_399] {strides = array<i32>} : memref<98x4x128xf32, #tpu.memory_space<vmem>>, vector<16xf32>,
      tpu.vector_store %arg5[%parallel_loop3A_397, %parallel_loop3A_398, %parallel_loop3A_399], %parallel_loop3A_395 {strides = array<i32>} : memref<98x4x128xf32, #tpu.memory_space<vmem>>, vector<16xf32>,
      %parallel_loop3A_401 = arith.mulf %parallel_loop3A_363, %parallel_loop3A_388 : vector<16xf32>
      %parallel_loop3A_402 = arith.constant 2 : i32
      %parallel_loop3A_403 = arith.index_cast %parallel_loop3A_28 : i32 to index
      %parallel_loop3A_404 = arith.index_cast %parallel_loop3A_402 : i32 to index
      %parallel_loop3A_405 = arith.constant 80 : index
      %parallel_loop3A_406 = tpu.vector_load %arg5[%parallel_loop3A_403, %parallel_loop3A_404, %parallel_loop3A_405] {strides = array<i32>} : memref<98x4x128xf32, #tpu.memory_space<vmem>>, vector<16xf32>,
      tpu.vector_store %arg5[%parallel_loop3A_403, %parallel_loop3A_404, %parallel_loop3A_405], %parallel_loop3A_401 {strides = array<i32>} : memref<98x4x128xf32, #tpu.memory_space<vmem>>, vector<16xf32>,
      %parallel_loop3A_407 = arith.mulf %parallel_loop3A_368, %parallel_loop3A_388 : vector<16xf32>
      %parallel_loop3A_408 = arith.constant 3 : i32
      %parallel_loop3A_409 = arith.index_cast %parallel_loop3A_28 : i32 to index
      %parallel_loop3A_410 = arith.index_cast %parallel_loop3A_408 : i32 to index
      %parallel_loop3A_411 = arith.constant 80 : index
      %parallel_loop3A_412 = tpu.vector_load %arg5[%parallel_loop3A_409, %parallel_loop3A_410, %parallel_loop3A_411] {strides = array<i32>} : memref<98x4x128xf32, #tpu.memory_space<vmem>>, vector<16xf32>,
      tpu.vector_store %arg5[%parallel_loop3A_409, %parallel_loop3A_410, %parallel_loop3A_411], %parallel_loop3A_407 {strides = array<i32>} : memref<98x4x128xf32, #tpu.memory_space<vmem>>, vector<16xf32>,
      %parallel_loop3A_413 = arith.constant 0 : i32
      %parallel_loop3A_414 = arith.index_cast %parallel_loop3A_28 : i32 to index
      %parallel_loop3A_415 = arith.index_cast %parallel_loop3A_413 : i32 to index
      %parallel_loop3A_416 = arith.constant 96 : index
      %parallel_loop3A_417 = tpu.vector_load %arg4[%parallel_loop3A_414, %parallel_loop3A_415, %parallel_loop3A_416] {strides = array<i32>} : memref<98x4x128xf32, #tpu.memory_space<vmem>>, vector<16xf32>,
      %parallel_loop3A_418 = arith.constant 1 : i32
      %parallel_loop3A_419 = arith.index_cast %parallel_loop3A_28 : i32 to index
      %parallel_loop3A_420 = arith.index_cast %parallel_loop3A_418 : i32 to index
      %parallel_loop3A_421 = arith.constant 96 : index
      %parallel_loop3A_422 = tpu.vector_load %arg4[%parallel_loop3A_419, %parallel_loop3A_420, %parallel_loop3A_421] {strides = array<i32>} : memref<98x4x128xf32, #tpu.memory_space<vmem>>, vector<16xf32>,
      %parallel_loop3A_423 = arith.constant 2 : i32
      %parallel_loop3A_424 = arith.index_cast %parallel_loop3A_28 : i32 to index
      %parallel_loop3A_425 = arith.index_cast %parallel_loop3A_423 : i32 to index
      %parallel_loop3A_426 = arith.constant 96 : index
      %parallel_loop3A_427 = tpu.vector_load %arg4[%parallel_loop3A_424, %parallel_loop3A_425, %parallel_loop3A_426] {strides = array<i32>} : memref<98x4x128xf32, #tpu.memory_space<vmem>>, vector<16xf32>,
      %parallel_loop3A_428 = arith.constant 3 : i32
      %parallel_loop3A_429 = arith.index_cast %parallel_loop3A_28 : i32 to index
      %parallel_loop3A_430 = arith.index_cast %parallel_loop3A_428 : i32 to index
      %parallel_loop3A_431 = arith.constant 96 : index
      %parallel_loop3A_432 = tpu.vector_load %arg4[%parallel_loop3A_429, %parallel_loop3A_430, %parallel_loop3A_431] {strides = array<i32>} : memref<98x4x128xf32, #tpu.memory_space<vmem>>, vector<16xf32>,
      %parallel_loop3A_433 = arith.constant 0.000000e+00 : f32
      %parallel_loop3A_434 = vector.broadcast %parallel_loop3A_433 : f32 to vector<16xf32>
      %parallel_loop3A_435 = arith.cmpf oge, %parallel_loop3A_417, %parallel_loop3A_434 : vector<16xf32>
      %parallel_loop3A_436 = arith.constant 7.040000e+01 : f32
      %parallel_loop3A_437 = vector.broadcast %parallel_loop3A_436 : f32 to vector<16xf32>
      %parallel_loop3A_438 = arith.cmpf ole, %parallel_loop3A_417, %parallel_loop3A_437 : vector<16xf32>
      %parallel_loop3A_439 = arith.andi %parallel_loop3A_435, %parallel_loop3A_438 : vector<16xi1>
      %parallel_loop3A_440 = arith.constant -4.000000e+01 : f32
      %parallel_loop3A_441 = vector.broadcast %parallel_loop3A_440 : f32 to vector<16xf32>
      %parallel_loop3A_442 = arith.cmpf oge, %parallel_loop3A_422, %parallel_loop3A_441 : vector<16xf32>
      %parallel_loop3A_443 = arith.andi %parallel_loop3A_439, %parallel_loop3A_442 : vector<16xi1>
      %parallel_loop3A_444 = arith.constant 4.000000e+01 : f32
      %parallel_loop3A_445 = vector.broadcast %parallel_loop3A_444 : f32 to vector<16xf32>
      %parallel_loop3A_446 = arith.cmpf ole, %parallel_loop3A_422, %parallel_loop3A_445 : vector<16xf32>
      %parallel_loop3A_447 = arith.andi %parallel_loop3A_443, %parallel_loop3A_446 : vector<16xi1>
      %parallel_loop3A_448 = arith.constant 1.000000e+00 : f32
      %parallel_loop3A_449 = arith.constant 0.000000e+00 : f32
      %parallel_loop3A_450 = vector.broadcast %parallel_loop3A_448 : f32 to vector<16xf32>
      %parallel_loop3A_451 = vector.broadcast %parallel_loop3A_449 : f32 to vector<16xf32>
      %parallel_loop3A_452 = arith.select %parallel_loop3A_447, %parallel_loop3A_450, %parallel_loop3A_451 : vector<16xi1>, vector<16xf32>
      %parallel_loop3A_453 = arith.mulf %parallel_loop3A_417, %parallel_loop3A_452 : vector<16xf32>
      %parallel_loop3A_454 = arith.constant 0 : i32
      %parallel_loop3A_455 = arith.index_cast %parallel_loop3A_28 : i32 to index
      %parallel_loop3A_456 = arith.index_cast %parallel_loop3A_454 : i32 to index
      %parallel_loop3A_457 = arith.constant 96 : index
      %parallel_loop3A_458 = tpu.vector_load %arg5[%parallel_loop3A_455, %parallel_loop3A_456, %parallel_loop3A_457] {strides = array<i32>} : memref<98x4x128xf32, #tpu.memory_space<vmem>>, vector<16xf32>,
      tpu.vector_store %arg5[%parallel_loop3A_455, %parallel_loop3A_456, %parallel_loop3A_457], %parallel_loop3A_453 {strides = array<i32>} : memref<98x4x128xf32, #tpu.memory_space<vmem>>, vector<16xf32>,
      %parallel_loop3A_459 = arith.mulf %parallel_loop3A_422, %parallel_loop3A_452 : vector<16xf32>
      %parallel_loop3A_460 = arith.constant 1 : i32
      %parallel_loop3A_461 = arith.index_cast %parallel_loop3A_28 : i32 to index
      %parallel_loop3A_462 = arith.index_cast %parallel_loop3A_460 : i32 to index
      %parallel_loop3A_463 = arith.constant 96 : index
      %parallel_loop3A_464 = tpu.vector_load %arg5[%parallel_loop3A_461, %parallel_loop3A_462, %parallel_loop3A_463] {strides = array<i32>} : memref<98x4x128xf32, #tpu.memory_space<vmem>>, vector<16xf32>,
      tpu.vector_store %arg5[%parallel_loop3A_461, %parallel_loop3A_462, %parallel_loop3A_463], %parallel_loop3A_459 {strides = array<i32>} : memref<98x4x128xf32, #tpu.memory_space<vmem>>, vector<16xf32>,
      %parallel_loop3A_465 = arith.mulf %parallel_loop3A_427, %parallel_loop3A_452 : vector<16xf32>
      %parallel_loop3A_466 = arith.constant 2 : i32
      %parallel_loop3A_467 = arith.index_cast %parallel_loop3A_28 : i32 to index
      %parallel_loop3A_468 = arith.index_cast %parallel_loop3A_466 : i32 to index
      %parallel_loop3A_469 = arith.constant 96 : index
      %parallel_loop3A_470 = tpu.vector_load %arg5[%parallel_loop3A_467, %parallel_loop3A_468, %parallel_loop3A_469] {strides = array<i32>} : memref<98x4x128xf32, #tpu.memory_space<vmem>>, vector<16xf32>,
      tpu.vector_store %arg5[%parallel_loop3A_467, %parallel_loop3A_468, %parallel_loop3A_469], %parallel_loop3A_465 {strides = array<i32>} : memref<98x4x128xf32, #tpu.memory_space<vmem>>, vector<16xf32>,
      %parallel_loop3A_471 = arith.mulf %parallel_loop3A_432, %parallel_loop3A_452 : vector<16xf32>
      %parallel_loop3A_472 = arith.constant 3 : i32
      %parallel_loop3A_473 = arith.index_cast %parallel_loop3A_28 : i32 to index
      %parallel_loop3A_474 = arith.index_cast %parallel_loop3A_472 : i32 to index
      %parallel_loop3A_475 = arith.constant 96 : index
      %parallel_loop3A_476 = tpu.vector_load %arg5[%parallel_loop3A_473, %parallel_loop3A_474, %parallel_loop3A_475] {strides = array<i32>} : memref<98x4x128xf32, #tpu.memory_space<vmem>>, vector<16xf32>,
      tpu.vector_store %arg5[%parallel_loop3A_473, %parallel_loop3A_474, %parallel_loop3A_475], %parallel_loop3A_471 {strides = array<i32>} : memref<98x4x128xf32, #tpu.memory_space<vmem>>, vector<16xf32>,
      %parallel_loop3A_477 = arith.constant 0 : i32
      %parallel_loop3A_478 = arith.index_cast %parallel_loop3A_28 : i32 to index
      %parallel_loop3A_479 = arith.index_cast %parallel_loop3A_477 : i32 to index
      %parallel_loop3A_480 = arith.constant 112 : index
      %parallel_loop3A_481 = tpu.vector_load %arg4[%parallel_loop3A_478, %parallel_loop3A_479, %parallel_loop3A_480] {strides = array<i32>} : memref<98x4x128xf32, #tpu.memory_space<vmem>>, vector<16xf32>,
      %parallel_loop3A_482 = arith.constant 1 : i32
      %parallel_loop3A_483 = arith.index_cast %parallel_loop3A_28 : i32 to index
      %parallel_loop3A_484 = arith.index_cast %parallel_loop3A_482 : i32 to index
      %parallel_loop3A_485 = arith.constant 112 : index
      %parallel_loop3A_486 = tpu.vector_load %arg4[%parallel_loop3A_483, %parallel_loop3A_484, %parallel_loop3A_485] {strides = array<i32>} : memref<98x4x128xf32, #tpu.memory_space<vmem>>, vector<16xf32>,
      %parallel_loop3A_487 = arith.constant 2 : i32
      %parallel_loop3A_488 = arith.index_cast %parallel_loop3A_28 : i32 to index
      %parallel_loop3A_489 = arith.index_cast %parallel_loop3A_487 : i32 to index
      %parallel_loop3A_490 = arith.constant 112 : index
      %parallel_loop3A_491 = tpu.vector_load %arg4[%parallel_loop3A_488, %parallel_loop3A_489, %parallel_loop3A_490] {strides = array<i32>} : memref<98x4x128xf32, #tpu.memory_space<vmem>>, vector<16xf32>,
      %parallel_loop3A_492 = arith.constant 3 : i32
      %parallel_loop3A_493 = arith.index_cast %parallel_loop3A_28 : i32 to index
      %parallel_loop3A_494 = arith.index_cast %parallel_loop3A_492 : i32 to index
      %parallel_loop3A_495 = arith.constant 112 : index
      %parallel_loop3A_496 = tpu.vector_load %arg4[%parallel_loop3A_493, %parallel_loop3A_494, %parallel_loop3A_495] {strides = array<i32>} : memref<98x4x128xf32, #tpu.memory_space<vmem>>, vector<16xf32>,
      %parallel_loop3A_497 = arith.constant 0.000000e+00 : f32
      %parallel_loop3A_498 = vector.broadcast %parallel_loop3A_497 : f32 to vector<16xf32>
      %parallel_loop3A_499 = arith.cmpf oge, %parallel_loop3A_481, %parallel_loop3A_498 : vector<16xf32>
      %parallel_loop3A_500 = arith.constant 7.040000e+01 : f32
      %parallel_loop3A_501 = vector.broadcast %parallel_loop3A_500 : f32 to vector<16xf32>
      %parallel_loop3A_502 = arith.cmpf ole, %parallel_loop3A_481, %parallel_loop3A_501 : vector<16xf32>
      %parallel_loop3A_503 = arith.andi %parallel_loop3A_499, %parallel_loop3A_502 : vector<16xi1>
      %parallel_loop3A_504 = arith.constant -4.000000e+01 : f32
      %parallel_loop3A_505 = vector.broadcast %parallel_loop3A_504 : f32 to vector<16xf32>
      %parallel_loop3A_506 = arith.cmpf oge, %parallel_loop3A_486, %parallel_loop3A_505 : vector<16xf32>
      %parallel_loop3A_507 = arith.andi %parallel_loop3A_503, %parallel_loop3A_506 : vector<16xi1>
      %parallel_loop3A_508 = arith.constant 4.000000e+01 : f32
      %parallel_loop3A_509 = vector.broadcast %parallel_loop3A_508 : f32 to vector<16xf32>
      %parallel_loop3A_510 = arith.cmpf ole, %parallel_loop3A_486, %parallel_loop3A_509 : vector<16xf32>
      %parallel_loop3A_511 = arith.andi %parallel_loop3A_507, %parallel_loop3A_510 : vector<16xi1>
      %parallel_loop3A_512 = arith.constant 1.000000e+00 : f32
      %parallel_loop3A_513 = arith.constant 0.000000e+00 : f32
      %parallel_loop3A_514 = vector.broadcast %parallel_loop3A_512 : f32 to vector<16xf32>
      %parallel_loop3A_515 = vector.broadcast %parallel_loop3A_513 : f32 to vector<16xf32>
      %parallel_loop3A_516 = arith.select %parallel_loop3A_511, %parallel_loop3A_514, %parallel_loop3A_515 : vector<16xi1>, vector<16xf32>
      %parallel_loop3A_517 = arith.mulf %parallel_loop3A_481, %parallel_loop3A_516 : vector<16xf32>
      %parallel_loop3A_518 = arith.constant 0 : i32
      %parallel_loop3A_519 = arith.index_cast %parallel_loop3A_28 : i32 to index
      %parallel_loop3A_520 = arith.index_cast %parallel_loop3A_518 : i32 to index
      %parallel_loop3A_521 = arith.constant 112 : index
      %parallel_loop3A_522 = tpu.vector_load %arg5[%parallel_loop3A_519, %parallel_loop3A_520, %parallel_loop3A_521] {strides = array<i32>} : memref<98x4x128xf32, #tpu.memory_space<vmem>>, vector<16xf32>,
      tpu.vector_store %arg5[%parallel_loop3A_519, %parallel_loop3A_520, %parallel_loop3A_521], %parallel_loop3A_517 {strides = array<i32>} : memref<98x4x128xf32, #tpu.memory_space<vmem>>, vector<16xf32>,
      %parallel_loop3A_523 = arith.mulf %parallel_loop3A_486, %parallel_loop3A_516 : vector<16xf32>
      %parallel_loop3A_524 = arith.constant 1 : i32
      %parallel_loop3A_525 = arith.index_cast %parallel_loop3A_28 : i32 to index
      %parallel_loop3A_526 = arith.index_cast %parallel_loop3A_524 : i32 to index
      %parallel_loop3A_527 = arith.constant 112 : index
      %parallel_loop3A_528 = tpu.vector_load %arg5[%parallel_loop3A_525, %parallel_loop3A_526, %parallel_loop3A_527] {strides = array<i32>} : memref<98x4x128xf32, #tpu.memory_space<vmem>>, vector<16xf32>,
      tpu.vector_store %arg5[%parallel_loop3A_525, %parallel_loop3A_526, %parallel_loop3A_527], %parallel_loop3A_523 {strides = array<i32>} : memref<98x4x128xf32, #tpu.memory_space<vmem>>, vector<16xf32>,
      %parallel_loop3A_529 = arith.mulf %parallel_loop3A_491, %parallel_loop3A_516 : vector<16xf32>
      %parallel_loop3A_530 = arith.constant 2 : i32
      %parallel_loop3A_531 = arith.index_cast %parallel_loop3A_28 : i32 to index
      %parallel_loop3A_532 = arith.index_cast %parallel_loop3A_530 : i32 to index
      %parallel_loop3A_533 = arith.constant 112 : index
      %parallel_loop3A_534 = tpu.vector_load %arg5[%parallel_loop3A_531, %parallel_loop3A_532, %parallel_loop3A_533] {strides = array<i32>} : memref<98x4x128xf32, #tpu.memory_space<vmem>>, vector<16xf32>,
      tpu.vector_store %arg5[%parallel_loop3A_531, %parallel_loop3A_532, %parallel_loop3A_533], %parallel_loop3A_529 {strides = array<i32>} : memref<98x4x128xf32, #tpu.memory_space<vmem>>, vector<16xf32>,
      %parallel_loop3A_535 = arith.mulf %parallel_loop3A_496, %parallel_loop3A_516 : vector<16xf32>
      %parallel_loop3A_536 = arith.constant 3 : i32
      %parallel_loop3A_537 = arith.index_cast %parallel_loop3A_28 : i32 to index
      %parallel_loop3A_538 = arith.index_cast %parallel_loop3A_536 : i32 to index
      %parallel_loop3A_539 = arith.constant 112 : index
      %parallel_loop3A_540 = tpu.vector_load %arg5[%parallel_loop3A_537, %parallel_loop3A_538, %parallel_loop3A_539] {strides = array<i32>} : memref<98x4x128xf32, #tpu.memory_space<vmem>>, vector<16xf32>,
      tpu.vector_store %arg5[%parallel_loop3A_537, %parallel_loop3A_538, %parallel_loop3A_539], %parallel_loop3A_535 {strides = array<i32>} : memref<98x4x128xf32, #tpu.memory_space<vmem>>, vector<16xf32>,
    } {sc.loop_unroll_factor = 2 : i64, sc.parallel_access}
    %dma_start3A_16 = arith.constant 0 : i32
    %dma_start3A_17 = arith.constant 0 : i32
    %dma_start3A_18 = tpu.memref_slice %arg3[%min3A_3, %dma_start3A_16, %dma_start3A_17] : memref<3125x4x128xf32, #tpu.memory_space<hbm>> -> memref<98x4x128xf32, #tpu.memory_space<hbm>>
    %dma_start3A_19 = arith.constant 0 : i32
    %dma_start3A_20 = arith.constant 0 : i32
    %dma_start3A_21 = tpu.memref_slice %arg3[%min3A_3, %dma_start3A_19, %dma_start3A_20] : memref<3125x4x128xf32, #tpu.memory_space<hbm>> -> memref<98x4x128xf32, #tpu.memory_space<hbm>>
    tpu.enqueue_dma source(%arg5 : memref<98x4x128xf32, #tpu.memory_space<vmem>>) target(%dma_start3A_21 : memref<98x4x128xf32, #tpu.memory_space<hbm>>) target_semaphore(%arg7 : memref<!tpu.dma_semaphore, #tpu.memory_space<semaphore_mem>>)
    %dma_wait3A_22 = arith.constant 0 : i32
    %dma_wait3A_23 = arith.constant 0 : i32
    %dma_wait3A_24 = tpu.memref_slice %arg3[%min3A_3, %dma_wait3A_22, %dma_wait3A_23] : memref<3125x4x128xf32, #tpu.memory_space<hbm>> -> memref<98x4x128xf32, #tpu.memory_space<hbm>>
    %dma_wait3A_25 = arith.constant 0 : i32
    %dma_wait3A_26 = arith.constant 0 : i32
    %dma_wait3A_27 = tpu.memref_slice %arg3[%min3A_3, %dma_wait3A_25, %dma_wait3A_26] : memref<3125x4x128xf32, #tpu.memory_space<hbm>> -> memref<98x4x128xf32, #tpu.memory_space<hbm>>
    tpu.wait_dma2 semaphore(%arg7 : memref<!tpu.dma_semaphore, #tpu.memory_space<semaphore_mem>>) src(%arg5 : memref<98x4x128xf32, #tpu.memory_space<vmem>>) dst(%dma_wait3A_27 : memref<98x4x128xf32, #tpu.memory_space<hbm>>)
    return
  }
}

module attributes {stable_mosaic.version = 14 : i64} {
  func.func @_mask_body(%arg0: memref<3125x4x128xf32, #tpu.memory_space<vmem>>, %arg1: memref<3125x128xi32, #tpu.memory_space<vmem>>) attributes {dimension_semantics = [], scalar_prefetch = 0 : i64, scratch_operands = 0 : i64, tpu.core_type = #tpu.core_type<tc>} {
    %get3A = arith.constant 0 : index
    %get3A_0 = arith.constant 0 : index
    %get3A_1 = arith.constant 0 : index
    %get3A_2 = vector.load %arg0[%get3A, %get3A_0, %get3A_1] : memref<3125x4x128xf32, #tpu.memory_space<vmem>>, vector<3125x1x128xf32>
    %get3A_3 = vector.shape_cast %get3A_2 : vector<3125x1x128xf32> to vector<3125x128xf32>
    %get3A_4 = arith.constant 0 : index
    %get3A_5 = arith.constant 1 : index
    %get3A_6 = arith.constant 0 : index
    %get3A_7 = vector.load %arg0[%get3A_4, %get3A_5, %get3A_6] : memref<3125x4x128xf32, #tpu.memory_space<vmem>>, vector<3125x1x128xf32>
    %get3A_8 = vector.shape_cast %get3A_7 : vector<3125x1x128xf32> to vector<3125x128xf32>
    %ge3A = arith.constant 0.000000e+00 : f32
    %ge3A_9 = vector.broadcast %ge3A : f32 to vector<3125x128xf32>
    %ge3A_10 = arith.cmpf oge, %get3A_3, %ge3A_9 : vector<3125x128xf32>
    %le3A = arith.constant 7.040000e+01 : f32
    %le3A_11 = vector.broadcast %le3A : f32 to vector<3125x128xf32>
    %le3A_12 = arith.cmpf ole, %get3A_3, %le3A_11 : vector<3125x128xf32>
    %and3A = arith.andi %ge3A_10, %le3A_12 : vector<3125x128xi1>
    %ge3A_13 = arith.constant -4.000000e+01 : f32
    %ge3A_14 = vector.broadcast %ge3A_13 : f32 to vector<3125x128xf32>
    %ge3A_15 = arith.cmpf oge, %get3A_8, %ge3A_14 : vector<3125x128xf32>
    %and3A_16 = arith.andi %and3A, %ge3A_15 : vector<3125x128xi1>
    %le3A_17 = arith.constant 4.000000e+01 : f32
    %le3A_18 = vector.broadcast %le3A_17 : f32 to vector<3125x128xf32>
    %le3A_19 = arith.cmpf ole, %get3A_8, %le3A_18 : vector<3125x128xf32>
    %and3A_20 = arith.andi %and3A_16, %le3A_19 : vector<3125x128xi1>
    %swap3A = arith.constant 0 : index
    %swap3A_21 = arith.constant 0 : index
    %swap3A_22 = vector.load %arg1[%swap3A, %swap3A_21] : memref<3125x128xi32, #tpu.memory_space<vmem>>, vector<3125x128xi32>
    %swap3A_23 = arith.extui %and3A_20 : vector<3125x128xi1> to vector<3125x128xi32>
    %swap3A_24 = arith.constant dense<0> : vector<3125x128xi32>
    %swap3A_25 = arith.cmpi ne, %swap3A_22, %swap3A_24 : vector<3125x128xi32>
    tpu.vector_store %arg1[%swap3A, %swap3A_21], %swap3A_23 {strides = array<i32>} : memref<3125x128xi32, #tpu.memory_space<vmem>>, vector<3125x128xi32>,
    return
  }
}

</mosaic_0001>

<sc_bundles>
// kernel: kernel.4.cloned.1.call-start
scs
__scs_entry_jumppad:
0x0: {  	(pc) =	sbr.rel $0x88, $3  }
0x1: {  	(tag) =	ssettag $0x0;
	lr =	simm.s32 $0x1  }
0x2: {  	[smem:$0x3FA0] =	sst lr;
	_ =	strace $0xD0000000  }
0x3: {  	_ = 	snop  }
0x4: {  	_ = 	snop  }
0x5: {  	_ = 	snop  }
0x6: {  	_ = 	snop  }
0x7: {  	_ = 	snop  }
__scs_overlays_trampoline_lowered:
0x8: {  	[smem:$0x3FAF] =	sst s0  }
0x9: {  	[smem:$0x3FB0] =	sst s1  }
0xa: {  	[smem:$0x3FB1] =	sst s2  }
0xb: {  	[smem:$0x3FB2] =	sst s3  }
0xc: {  	[smem:$0x3FB3] =	sst s4  }
0xd: {  	[smem:$0x3FB4] =	sst s5  }
0xe: {  	[smem:$0x3FB5] =	sst s6  }
0xf: {  	[smem:$0x3FB6] =	sst s7  }
0x10: {  	[smem:$0x3FB7] =	sst s8  }
0x11: {  	[smem:$0x3FB8] =	sst s9;
	s0 =	simm.s32 @!p0 $0x0  }
0x12: {  	s1 =	sld [smem:$0x3F9E];
	s0 =	simm.s32 @p0 $0x1  }
0x13: {  	[smem:$0x3FB9] =	sst s0;
	s0 =	simm.s32 @!p1 $0x0  }
0x14: {  	s2 =	sld [smem:$0x3F9D];
	s0 =	simm.s32 @p1 $0x1  }
0x15: {  	[smem:$0x3FBA] =	sst s0;
	s0 =	simm.s32 @!p2 $0x0  }
0x16: {  	s3 =	sld [smem:$0x3FDB];
	s0 =	simm.s32 @p2 $0x1  }
0x17: {  	s4 =	simm.s32 $0x1BF5;
	[smem:$0x3FBC] =	sst s0  }
0x18: {  	s0 =	sld [smem:$0x3F9F];
	_ =	swait.ge [sflag:s4], $0x0  }
0x19: {  	s7 =	sld [smem:$0x3FA0]  }
0x1a: {  	s8 =	sadd.s32 $0xFFFFE003, lr  }
0x1b: {  	s9 =	sadd.s32 $0xFFFFFEF7, lr;
	s5 =	simm.s32 $0xFFFFFFFF;
	p2 =	slt.u32 s8, $0xFFFFF086  }
0x1c: {  	p1 =	slt.u32 s9, $0xF7A;
	s5 =	simm.s32 @!p2 $0x0  }
0x1d: {  	s5 =	simm.s32 @p1 $0x1;
	p0 =	seq.s32 s7, s2  }
0x1e: {  	s7 =	smul.u32 @!p0 $0xF7A, s2;
	p2 =	seq.s32 @!p0 s5, $0x0  }
0x1f: {  	s9 =	smul.u32 $0xF7A, s1;
	s8 =	simm.s32 @!p0 $0x1BF5;
	p2 =	por !p2, p0  }
0x20: {  	[sflag:s8] =	ssyncset.s32 @!p0 $0xFFFFF086;
	s6 =	sadd.s32 @!p0 s3, s7;
	s7 =	simm.s32 @!p0 $0x108  }
0x21: {  	s3 =	sadd.s32 s3, s9;
	s6 =	sadd.s32 @!p0 $0x88, s6;
	s7 =	simm.s32 @p2 $0x1082  }
0x22: {  	[simem:s7], [sflag:s8] =	dma.local @!p0 [hbm:s6], $0xF7A  }
0x23: {  	s9 =	sor.u32 $0xD0000000, s2;
	s6 =	simm.s32 $0x108;
	_ =	swait.ge @!p0 [sflag:s8], $0x0  }
0x24: {  	s3 =	sadd.s32 $0x88, s3;
	s6 =	simm.s32 @!p1 $0x1082;
	[sflag:s4] =	ssyncset.s32 $0xFFFFF086  }
0x25: {  	[simem:s6], [sflag:s4] =	dma.local [hbm:s3], $0xF7A  }
0x26: {  	[smem:$0x3FA0] =	sst s1;
	(tag) =	ssettag s2;
	_ =	strace s9  }
0x27: {  	s1 =	sld [smem:$0x3FB0]  }
0x28: {  	s2 =	sld [smem:$0x3FB1]  }
0x29: {  	s4 =	sld [smem:$0x3FB3]  }
0x2a: {  	p0 =	seq.s32 s5, $0x0;
	s5 =	sld [smem:$0x3FB4]  }
0x2b: {  	s6 =	sld [smem:$0x3FB5]  }
0x2c: {  	s7 =	sld [smem:$0x3FB6]  }
0x2d: {  	s3 =	simm.s32 $0x108;
	s8 =	sld [smem:$0x3FB7]  }
0x2e: {  	s3 =	simm.s32 @!p0 $0x1082;
	s9 =	sld [smem:$0x3FB8]  }
0x2f: {  	lr =	sadd.s32 s0, s3;
	s0 =	sld [smem:$0x3FAF]  }
0x30: {  	s3 =	sld [smem:$0x3FB2]  }
0x31: {  	[smem:$0x3FBB] =	sst s10  }
0x32: {  	s10 =	sld [smem:$0x3FB9];
	_ =	sdelay $0x3  }
0x33: {  	p0 =	seq.s32 s10, $0x1;
	s10 =	sld [smem:$0x3FBB];
	_ =	sdelay $0x3  }
0x34: {  	[smem:$0x3FBB] =	sst s10  }
0x35: {  	s10 =	sld [smem:$0x3FBA];
	_ =	sdelay $0x3  }
0x36: {  	p1 =	seq.s32 s10, $0x1;
	s10 =	sld [smem:$0x3FBB];
	_ =	sdelay $0x3  }
0x37: {  	[smem:$0x3FBB] =	sst s10  }
0x38: {  	s10 =	sld [smem:$0x3FBC]  }
0x39: {  	_ = 	snop;
	(pc) =	sbr.ind lr, $3  }
0x3a: {  	_ = 	snop  }
0x3b: {  	_ = 	snop  }
0x3c: {  	p2 =	seq.s32 s10, $0x1;
	s10 =	sld [smem:$0x3FBB]  }
0x3d: {  	_ =	shalt  }
0x3e: {  	_ =	shalt  }
0x3f: {  	_ =	shalt  }
0x40: {  	_ =	shalt  }
0x41: {  	_ =	shalt  }
0x42: {  	_ =	shalt  }
0x43: {  	_ =	shalt  }
0x44: {  	_ =	shalt  }
0x45: {  	_ =	shalt  }
0x46: {  	_ =	shalt  }
0x47: {  	_ =	shalt  }
0x48: {  	_ =	shalt  }
0x49: {  	_ =	shalt  }
0x4a: {  	_ =	shalt  }
0x4b: {  	_ =	shalt  }
0x4c: {  	_ =	shalt  }
0x4d: {  	_ =	shalt  }
0x4e: {  	_ =	shalt  }
0x4f: {  	_ =	shalt  }
0x50: {  	_ =	shalt  }
0x51: {  	_ =	shalt  }
0x52: {  	_ =	shalt  }
0x53: {  	_ =	shalt  }
0x54: {  	_ =	shalt  }
0x55: {  	_ =	shalt  }
0x56: {  	_ =	shalt  }
0x57: {  	_ =	shalt  }
0x58: {  	_ =	shalt  }
0x59: {  	_ =	shalt  }
0x5a: {  	_ =	shalt  }
0x5b: {  	_ =	shalt  }
0x5c: {  	_ =	shalt  }
0x5d: {  	_ =	shalt  }
0x5e: {  	_ =	shalt  }
0x5f: {  	_ =	shalt  }
0x60: {  	_ =	shalt  }
0x61: {  	_ =	shalt  }
0x62: {  	_ =	shalt  }
0x63: {  	_ =	shalt  }
0x64: {  	_ =	shalt  }
0x65: {  	_ =	shalt  }
0x66: {  	_ =	shalt  }
0x67: {  	_ =	shalt  }
0x68: {  	_ =	shalt  }
0x69: {  	_ =	shalt  }
0x6a: {  	_ =	shalt  }
0x6b: {  	_ =	shalt  }
0x6c: {  	_ =	shalt  }
0x6d: {  	_ =	shalt  }
0x6e: {  	_ =	shalt  }
0x6f: {  	_ =	shalt  }
0x70: {  	_ =	shalt  }
0x71: {  	_ =	shalt  }
0x72: {  	_ =	shalt  }
0x73: {  	_ =	shalt  }
0x74: {  	_ =	shalt  }
0x75: {  	_ =	shalt  }
0x76: {  	_ =	shalt  }
0x77: {  	_ =	shalt  }
0x78: {  	_ =	shalt  }
0x79: {  	_ =	shalt  }
0x7a: {  	_ =	shalt  }
0x7b: {  	_ =	shalt  }
0x7c: {  	_ =	shalt  }
0x7d: {  	_ =	shalt  }
0x7e: {  	_ =	shalt  }
0x7f: {  	_ =	shalt  }
0x80: {  	_ =	shalt  }
0x81: {  	_ =	shalt  }
0x82: {  	_ =	shalt  }
0x83: {  	_ =	shalt  }
0x84: {  	_ =	shalt  }
0x85: {  	_ =	shalt  }
0x86: {  	_ =	shalt  }
0x87: {  	_ =	shalt  }
.Lfunc_end0:
.L_simem_size_0:
called_computation_lowered:
.L_overlay_start_0:
0x88: {  	s2 =	sld [smem:$0x3FD9]  }
0x89: {  	s3 =	sld [smem:$0x3FFE];
	_ =	sdelay $0x1  }
0x8a: {  	s1 =	srdreg.scid  }
0x8b: {  	s0 =	sand.u32 $0x1, s1  }
0x8c: {  	s15 =	sshll.u32 s0, $0xA;
	s2 =	sadd.s32 s3, s2  }
0x8d: {  	s2 =	sadd.s32 s2, s15  }
0x8e: {  	[smem:$0x3FC7] =	sst s2  }
0x8f: {  	_ = 	snop  }
0x90: {  	s2 =	sld [smem:$0x3FD0];
	_ =	sdelay $0x2  }
0x91: {  	s4 =	simm.s32 $0xA;
	s5 =	simm.s32 $0x10;
	s16 =	sld [smem:$0x3FC9]  }
0x92: {  	[smem:s5], [sflag:s4] =	dma.local [hbm:s2], $0x1  }
0x93: {  	_ =	swait.eq [sflag:s4], $0x1  }
0x94: {  	[sflag:s4] =	ssyncset.done $0x0  }
0x95: {  	[sflag:s4] =	ssyncadd.s32 $0xFFFFFFFF  }
0x96: {  	s17 =	sld [smem:$0x10];
	(tm) =	ssettm $0x1  }
0x97: {  	s18 =	sld [smem:$0x3FFB];
	_ =	sdelay $0x3  }
0x98: {  	_ =	strace s18  }
0x99: {  	s4 =	sld [smem:$0x3FFC];
	_ =	sdelay $0x3  }
0x9a: {  	_ =	strace s4  }
0x9b: {  	s4 =	sld [smem:$0x3FFD];
	_ =	sdelay $0x3  }
0x9c: {  	_ =	strace s4  }
0x9d: {  	_ =	strace $0x8FFFFFFF  }
0x9e: {  	s19 =	sld [smem:$0x3FDB];
	_ =	sdelay $0x1  }
0x9f: {  	s20 =	simm.s32 $_scs_section_size  }
0xa0: {  	s6 =	simm.s32 $_size__tile_overlayer_lowered;
	s7 =	simm.s32 $_tile_overlayer_lowered  }
0xa1: {  	s23 =	simm.s32 $0x1BFF;
	s22 =	sshll.u32 s7, $0x1;
	s4 =	sadd.s32 s20, s19  }
0xa2: {  	s8 =	simm.s32 $0x0;
	s21 =	sshll.u32 s6, $0x1;
	s6 =	sadd.s32 s22, s4  }
0xa3: {  	[timem:s8], [sflag:s23] =	dma.local [hbm:s6], s21  }
0xa4: {  	_ =	swait.ge [sflag:s23], s21  }
0xa5: {  	s5 =	ssub.s32 $0x0, s21;
	[sflag:s23] =	ssyncset.done $0x0  }
0xa6: {  	[sflag:s23] =	ssyncadd.s32 s5;
	_ =	sdelay $0x1  }
0xa7: {  	s24 =	simm.s32 $0x1B8B  }
0xa8: {  	_ =	swait.ge [sflag:s24], $0x1  }
0xa9: {  	[sflag:s24] =	ssyncset.done $0x0  }
0xaa: {  	s25 =	simm.s32 $0x1B8E;
	[sflag:s24] =	ssyncadd.s32 $0xFFFFFFFF  }
0xab: {  	s26 =	simm.s32 $execute0_lowered;
	[smem:$0x3FD2] =	sst s25  }
0xac: {  	s5 =	sshll.u32 s26, $0x1;
	_ =	strace $0x80000046;
	[dreg:$0x1] =	wrdreg $0xFFFFFFFF  }
0xad: {  	s28 =	simm.s32 $_size_execute0_lowered;
	s4 =	sadd.s32 s4, s5;
	[dreg:$0x0] =	wrdreg $0x0  }
0xae: {  	s5 =	sshll.u32 s28, $0x1;
	[dreg:$0x2] =	wrdreg s4  }
0xaf: {  	[dreg:$0x3] =	wrdreg s5  }
0xb0: {  	[dreg:$0x4] =	wrdreg $0xC0  }
0xb1: {  	_ =	task [dreg:s8], $0x5FFFF  }
0xb2: {  	[dreg:$0x1] =	wrdreg $0xFFFFFFFF  }
0xb3: {  	[dreg:$0x0] =	wrdreg $0x60  }
0xb4: {  	[dreg:$0x2] =	wrdreg s16  }
0xb5: {  	[dreg:$0x3] =	wrdreg s17  }
0xb6: {  	[dreg:$0x4] =	wrdreg $0x9  }
0xb7: {  	_ =	task.clear_ibuf [dreg:s8], $0x5FFFF;
	_ =	strace $0x90000046  }
0xb8: {  	s29 =	simm.s32 $0x9;
	_ =	strace $0x80000048  }
0xb9: {  	_ =	swait.ge [sflag:s29], $0x1  }
0xba: {  	[sflag:s29] =	ssyncadd.s32 $0xFFFFFFFF  }
0xbb: {  	_ =	strace $0x90000048  }
0xbc: {  	_ =	sfence  }
0xbd: {  	s30 =	sld [smem:$0x0];
	_ =	sdelay $0x2  }
0xbe: {  	s31 =	sshll.u32 s1, $0xD;
	s1 =	sshrl.u32 s1, $0x2  }
0xbf: {  	s3 =	sand.u32 $0x4000, s31;
	s1 =	sadd.s32 s1, s30  }
0xc0: {  	s0 =	sor.u32 s3, s0;
	s1 =	sshll.u32 s1, $0x11  }
0xc1: {  	s0 =	sor.u32 s1, s0  }
0xc2: {  	s0 =	sadd.s32 $0x8F2B, s0  }
0xc3: {  	[sflag:s0] =	ssyncadd.remote.s32 $0x1  }
0xc4: {  	_ =	sfence.sel $0xFFFF  }
0xc5: {  	[dreg:$0x0] =	wrdreg $0xFFFFFFFF;
	(pc) =	sbr.abs _section_cstart, $3  }
0xc6: {  	[dreg:$0x1] =	wrdreg $0xFFFFFFFF  }
0xc7: {  	_ =	task.clear_ibuf [dreg:s8], $0x2FFFF;
	_ =	strace $0x9FFFFFFF  }
0xc8: {  	(tm) =	ssettm $0x7FFFFFFF  }
0xc9: {  	_ =	shalt  }
tec
execute0_lowered:
.L_overlay_start_1:
0x0: {  	(tag) =	ssettag $0x1  }
0x1: {  	s1 =	srdreg.scid;
	s0 =	stileid.u32  }
0x2: {  	s3 =	sand.u32 $0x1, s1;
	s31 =	sshll.u32 s0, $0x1  }
0x3: {  	s4 =	rddreg [dreg:$0x0];
	s1 =	sor.u32 s3, s31  }
0x4: {  	s5 =	rddreg [dreg:$0x1];
	s2 =	simm.s32 $0x0;
	s6 =	smul.u32 $0x62, s1  }
0x5: {  	s8 =	simm.s32 $0x2;
	s9 =	simm.s32 $0x0;
	[smem:$0x7FF] =	sst s2  }
0x6: {  	s3 =	ssub.s32 $0x2, s3;
	s1 =	rddreg [dreg:$0x2];
	s6 =	smin.u32 s6, $0xBD3  }
0x7: {  	s7 =	sshrl.u32 s3, $0x1;
	_ =	strace $0x80000047;
	s6 =	sshll.u32 s6, $0x6  }
0x8: {  	s7 =	ssub.s32 s3, s7;
	s3 =	sadd.s32 s4, s6;
	s4 =	sadd.s32 s5, s6  }
0x9: {  	v0 =	vimm.f32 $0.0e+00;
	s5 =	smax.u32 s7, $0x1;
	s6 =	simm.s32 $0x1;
	s7 =	simm.s32 $0xC400  }
.LBB2_1:
0xa: {  	[tilespmem:s2], [sflag:$0x1] =	stream.linear.gather [hbm4b:s3+s2], $0xC400, $0x38;
	[tilespmem:$0x18800] =	vst v63  }
0xb: {  	_ =	swait.ge [sflag:s6], $0xC400  }
0xc: {  	[sflag:s6] =	ssyncset.done $0x0  }
0xd: {  	s15 =	simm.s32 $0x200;
	[sflag:s6] =	ssyncadd.s32 $0xFFFF3C00  }
0xe: {  	v1 =	vld [tilespmem:s15+$0x80]  }
0xf: {  	v2 =	vld [tilespmem:s15+$0x0];
	_ =	sdelay $0x3  }
0x10: {  	v3 =	vand.u32 $0x7FFFFFFF, v1  }
0x11: {  	vm0 =	vle.f32 v2, $7.040000150e+01;
	vm1 =	vle.f32 v3, $4.000000000e+01  }
0x12: {  	vm2 =	vge.f32 v2, $0.0e+00;
	v3 =	vld [tilespmem:s15+$0x100];
	vm0 =	vmand vm0, vm1  }
0x13: {  	v4 =	vld [tilespmem:s15+$0x180];
	vm0 =	vmand vm0, vm2  }
0x14: {  	v5 =	vsel vm0, $0x3F800000, v0  }
0x15: {  	v6 =	vld [tilespmem:s15+$0xFFFFFE80];
	v2 =	vmul.f32 v5, v2  }
0x16: {  	s10 =	simm.s32 $0xC600;
	v7 =	vld [tilespmem:s15+$0xFFFFFE00];
	v1 =	vmul.f32 v5, v1  }
0x17: {  	[tilespmem:s10+$0x0] =	vst v2;
	v2 =	vmul.f32 v5, v3  }
0x18: {  	[tilespmem:s10+$0x80] =	vst v1;
	v1 =	vmul.f32 v5, v4  }
0x19: {  	[tilespmem:s10+$0x100] =	vst v2  }
0x1a: {  	v3 =	vand.u32 $0x7FFFFFFF, v6;
	v2 =	vld [tilespmem:s15+$0xFFFFFF00];
	[tilespmem:s10+$0x180] =	vst v1  }
0x1b: {  	vm0 =	vle.f32 v7, $7.040000150e+01;
	vm1 =	vle.f32 v3, $4.000000000e+01;
	v1 =	vld [tilespmem:s15+$0x90]  }
0x1c: {  	vm0 =	vmand vm0, vm1;
	vm1 =	vge.f32 v7, $0.0e+00;
	v3 =	vld [tilespmem:s15+$0x10]  }
0x1d: {  	v4 =	vld [tilespmem:s15+$0xFFFFFF80];
	vm0 =	vmand vm0, vm1  }
0x1e: {  	v5 =	vsel vm0, $0x3F800000, v0  }
0x1f: {  	v7 =	vmul.f32 v5, v7  }
0x20: {  	v6 =	vmul.f32 v5, v6;
	v8 =	vand.u32 $0x7FFFFFFF, v1  }
0x21: {  	v2 =	vmul.f32 v5, v2;
	[tilespmem:s10+$0xFFFFFE00] =	vst v7;
	vm0 =	vle.f32 v3, $7.040000150e+01;
	vm1 =	vle.f32 v8, $4.000000000e+01  }
0x22: {  	v4 =	vmul.f32 v5, v4;
	[tilespmem:s10+$0xFFFFFE80] =	vst v6;
	v5 =	vld [tilespmem:s15+$0x110];
	vm2 =	vge.f32 v3, $0.0e+00;
	vm0 =	vmand vm0, vm1  }
0x23: {  	[tilespmem:s10+$0xFFFFFF00] =	vst v2;
	v2 =	vld [tilespmem:s15+$0x190];
	vm0 =	vmand vm0, vm2  }
0x24: {  	[tilespmem:s10+$0xFFFFFF80] =	vst v4;
	v4 =	vsel vm0, $0x3F800000, v0  }
0x25: {  	v6 =	vld [tilespmem:s15+$0xFFFFFE90];
	v3 =	vmul.f32 v4, v3  }
0x26: {  	v7 =	vld [tilespmem:s15+$0xFFFFFE10];
	v1 =	vmul.f32 v4, v1  }
0x27: {  	[tilespmem:s10+$0x10] =	vst v3;
	v3 =	vmul.f32 v4, v5  }
0x28: {  	[tilespmem:s10+$0x90] =	vst v1;
	v1 =	vmul.f32 v4, v2  }
0x29: {  	[tilespmem:s10+$0x110] =	vst v3  }
0x2a: {  	v2 =	vld [tilespmem:s15+$0xFFFFFF10];
	v3 =	vand.u32 $0x7FFFFFFF, v6;
	[tilespmem:s10+$0x190] =	vst v1  }
0x2b: {  	vm0 =	vle.f32 v7, $7.040000150e+01;
	vm1 =	vle.f32 v3, $4.000000000e+01;
	v1 =	vld [tilespmem:s15+$0xA0]  }
0x2c: {  	vm2 =	vge.f32 v7, $0.0e+00;
	v3 =	vld [tilespmem:s15+$0x20];
	vm0 =	vmand vm0, vm1  }
0x2d: {  	v4 =	vld [tilespmem:s15+$0xFFFFFF90];
	vm0 =	vmand vm0, vm2  }
0x2e: {  	v5 =	vsel vm0, $0x3F800000, v0  }
0x2f: {  	v7 =	vmul.f32 v5, v7  }
0x30: {  	v6 =	vmul.f32 v5, v6;
	v8 =	vand.u32 $0x7FFFFFFF, v1  }
0x31: {  	v2 =	vmul.f32 v5, v2;
	vm0 =	vle.f32 v3, $7.040000150e+01;
	[tilespmem:s10+$0xFFFFFE10] =	vst v7;
	vm1 =	vle.f32 v8, $4.000000000e+01  }
0x32: {  	v4 =	vmul.f32 v5, v4;
	v5 =	vld [tilespmem:s15+$0x120];
	vm2 =	vge.f32 v3, $0.0e+00;
	[tilespmem:s10+$0xFFFFFE90] =	vst v6;
	vm0 =	vmand vm0, vm1  }
0x33: {  	[tilespmem:s10+$0xFFFFFF10] =	vst v2;
	v2 =	vld [tilespmem:s15+$0x1A0];
	vm0 =	vmand vm0, vm2  }
0x34: {  	[tilespmem:s10+$0xFFFFFF90] =	vst v4;
	v4 =	vsel vm0, $0x3F800000, v0  }
0x35: {  	v6 =	vld [tilespmem:s15+$0xFFFFFEA0];
	v3 =	vmul.f32 v4, v3  }
0x36: {  	v7 =	vld [tilespmem:s15+$0xFFFFFE20];
	v1 =	vmul.f32 v4, v1  }
0x37: {  	[tilespmem:s10+$0x20] =	vst v3;
	v3 =	vmul.f32 v4, v5  }
0x38: {  	[tilespmem:s10+$0xA0] =	vst v1;
	v1 =	vmul.f32 v4, v2  }
0x39: {  	[tilespmem:s10+$0x120] =	vst v3  }
0x3a: {  	v2 =	vld [tilespmem:s15+$0xFFFFFF20];
	v3 =	vand.u32 $0x7FFFFFFF, v6;
	[tilespmem:s10+$0x1A0] =	vst v1  }
0x3b: {  	vm0 =	vle.f32 v7, $7.040000150e+01;
	vm1 =	vle.f32 v3, $4.000000000e+01;
	v1 =	vld [tilespmem:s15+$0xB0]  }
0x3c: {  	vm2 =	vge.f32 v7, $0.0e+00;
	v3 =	vld [tilespmem:s15+$0x30];
	vm0 =	vmand vm0, vm1  }
0x3d: {  	v4 =	vld [tilespmem:s15+$0xFFFFFFA0];
	vm0 =	vmand vm0, vm2  }
0x3e: {  	v5 =	vsel vm0, $0x3F800000, v0  }
0x3f: {  	v7 =	vmul.f32 v5, v7  }
0x40: {  	v6 =	vmul.f32 v5, v6;
	v8 =	vand.u32 $0x7FFFFFFF, v1  }
0x41: {  	v2 =	vmul.f32 v5, v2;
	vm0 =	vle.f32 v3, $7.040000150e+01;
	[tilespmem:s10+$0xFFFFFE20] =	vst v7;
	vm1 =	vle.f32 v8, $4.000000000e+01  }
0x42: {  	v4 =	vmul.f32 v5, v4;
	v5 =	vld [tilespmem:s15+$0x130];
	vm2 =	vge.f32 v3, $0.0e+00;
	[tilespmem:s10+$0xFFFFFEA0] =	vst v6;
	vm0 =	vmand vm0, vm1  }
0x43: {  	[tilespmem:s10+$0xFFFFFF20] =	vst v2;
	v2 =	vld [tilespmem:s15+$0x1B0];
	vm0 =	vmand vm0, vm2  }
0x44: {  	[tilespmem:s10+$0xFFFFFFA0] =	vst v4;
	v4 =	vsel vm0, $0x3F800000, v0  }
0x45: {  	v6 =	vld [tilespmem:s15+$0xFFFFFEB0];
	v3 =	vmul.f32 v4, v3  }
0x46: {  	s11 =	simm.s32 $0x600;
	v7 =	vld [tilespmem:s15+$0xFFFFFE30];
	v1 =	vmul.f32 v4, v1  }
0x47: {  	v8 =	vld [tilespmem:s11+$0x80];
	[tilespmem:s10+$0x30] =	vst v3;
	v3 =	vmul.f32 v4, v5  }
0x48: {  	v5 =	vld [tilespmem:s11+$0x0];
	[tilespmem:s10+$0xB0] =	vst v1;
	v1 =	vmul.f32 v4, v2  }
0x49: {  	[tilespmem:s10+$0x130] =	vst v3  }
0x4a: {  	v10 =	vld [tilespmem:s11+$0xFFFFFE80];
	v4 =	vand.u32 $0x7FFFFFFF, v6;
	[tilespmem:s10+$0x1B0] =	vst v1  }
0x4b: {  	vm0 =	vle.f32 v7, $7.040000150e+01;
	vm1 =	vle.f32 v4, $4.000000000e+01;
	v1 =	vld [tilespmem:s15+$0xC0]  }
0x4c: {  	vm2 =	vge.f32 v7, $0.0e+00;
	v4 =	vand.u32 $0x7FFFFFFF, v8;
	vm0 =	vmand vm0, vm1;
	v9 =	vld [tilespmem:s15+$0x40]  }
0x4d: {  	v11 =	vld [tilespmem:s11+$0x100];
	vm0 =	vmand vm0, vm2;
	vm2 =	vle.f32 v4, $4.000000000e+01;
	vm1 =	vle.f32 v5, $7.040000150e+01  }
0x4e: {  	v12 =	vld [tilespmem:s11+$0x180];
	v4 =	vsel vm0, $0x3F800000, v0;
	vm0 =	vge.f32 v5, $0.0e+00;
	vm1 =	vmand vm1, vm2  }
0x4f: {  	v13 =	vld [tilespmem:s11+$0xFFFFFE00];
	v7 =	vmul.f32 v4, v7;
	vm0 =	vmand vm1, vm0  }
0x50: {  	v2 =	vld [tilespmem:s15+$0xFFFFFF30];
	v6 =	vmul.f32 v4, v6;
	v14 =	vsel vm0, $0x3F800000, v0;
	v15 =	vand.u32 $0x7FFFFFFF, v1  }
0x51: {  	v3 =	vld [tilespmem:s15+$0xFFFFFFB0];
	[tilespmem:s10+$0xFFFFFE30] =	vst v7;
	vm0 =	vle.f32 v9, $7.040000150e+01;
	v5 =	vmul.f32 v14, v5;
	vm1 =	vle.f32 v15, $4.000000000e+01  }
0x52: {  	s12 =	simm.s32 $0xCA00;
	[tilespmem:s10+$0xFFFFFEB0] =	vst v6;
	v7 =	vld [tilespmem:s15+$0x140];
	vm2 =	vge.f32 v9, $0.0e+00;
	v6 =	vmul.f32 v14, v8;
	vm0 =	vmand vm0, vm1  }
0x53: {  	v8 =	vld [tilespmem:s15+$0x1C0];
	[tilespmem:s12+$0x0] =	vst v5;
	v5 =	vmul.f32 v14, v11;
	vm0 =	vmand vm0, vm2  }
0x54: {  	v11 =	vand.u32 $0x7FFFFFFF, v10;
	[tilespmem:s12+$0x80] =	vst v6;
	v6 =	vmul.f32 v14, v12;
	v12 =	vsel vm0, $0x3F800000, v0  }
0x55: {  	v14 =	vld [tilespmem:s11+$0xFFFFFF00];
	vm0 =	vle.f32 v13, $7.040000150e+01;
	vm1 =	vle.f32 v11, $4.000000000e+01;
	[tilespmem:s12+$0x100] =	vst v5;
	v5 =	vmul.f32 v12, v9  }
0x56: {  	v9 =	vld [tilespmem:s11+$0xFFFFFF80];
	vm0 =	vmand vm0, vm1;
	vm1 =	vge.f32 v13, $0.0e+00;
	[tilespmem:s12+$0x180] =	vst v6;
	v1 =	vmul.f32 v12, v1  }
0x57: {  	vm0 =	vmand vm0, vm1;
	v6 =	vld [tilespmem:s11+$0x90];
	[tilespmem:s10+$0x40] =	vst v5;
	v5 =	vmul.f32 v12, v7  }
0x58: {  	v11 =	vld [tilespmem:s11+$0x10];
	v7 =	vsel vm0, $0x3F800000, v0;
	[tilespmem:s10+$0xC0] =	vst v1;
	v1 =	vmul.f32 v12, v8  }
0x59: {  	v8 =	vmul.f32 v7, v13;
	[tilespmem:s10+$0x140] =	vst v5  }
0x5a: {  	v5 =	vmul.f32 v7, v10;
	[tilespmem:s10+$0x1C0] =	vst v1  }
0x5b: {  	v1 =	vmul.f32 v7, v14;
	[tilespmem:s12+$0xFFFFFE00] =	vst v8;
	v8 =	vld [tilespmem:s15+$0xD0]  }
0x5c: {  	v2 =	vmul.f32 v4, v2;
	v7 =	vmul.f32 v7, v9;
	v9 =	vld [tilespmem:s15+$0x50];
	[tilespmem:s12+$0xFFFFFE80] =	vst v5;
	v5 =	vand.u32 $0x7FFFFFFF, v6  }
0x5d: {  	v3 =	vmul.f32 v4, v3;
	v4 =	vld [tilespmem:s11+$0x190];
	[tilespmem:s12+$0xFFFFFF00] =	vst v1;
	vm0 =	vle.f32 v11, $7.040000150e+01;
	vm1 =	vle.f32 v5, $4.000000000e+01  }
0x5e: {  	v1 =	vld [tilespmem:s11+$0x110];
	vm2 =	vge.f32 v11, $0.0e+00;
	[tilespmem:s12+$0xFFFFFF80] =	vst v7;
	vm0 =	vmand vm0, vm1  }
0x5f: {  	[tilespmem:s10+$0xFFFFFF30] =	vst v2;
	v2 =	vld [tilespmem:s11+$0xFFFFFE90];
	vm0 =	vmand vm0, vm2  }
0x60: {  	[tilespmem:s10+$0xFFFFFFB0] =	vst v3;
	v7 =	vld [tilespmem:s11+$0xFFFFFE10];
	v3 =	vsel vm0, $0x3F800000, v0;
	v5 =	vand.u32 $0x7FFFFFFF, v8  }
0x61: {  	v10 =	vld [tilespmem:s15+$0xFFFFFEC0];
	vm0 =	vle.f32 v9, $7.040000150e+01;
	v11 =	vmul.f32 v3, v11;
	vm1 =	vle.f32 v5, $4.000000000e+01  }
0x62: {  	vm2 =	vge.f32 v9, $0.0e+00;
	v5 =	vmul.f32 v3, v6;
	v6 =	vld [tilespmem:s15+$0x150];
	vm0 =	vmand vm0, vm1  }
0x63: {  	v1 =	vmul.f32 v3, v1;
	[tilespmem:s12+$0x10] =	vst v11;
	v11 =	vld [tilespmem:s15+$0x1D0];
	vm0 =	vmand vm0, vm2  }
0x64: {  	v12 =	vld [tilespmem:s15+$0xFFFFFE40];
	v3 =	vmul.f32 v3, v4;
	[tilespmem:s12+$0x90] =	vst v5;
	v5 =	vand.u32 $0x7FFFFFFF, v2;
	v4 =	vsel vm0, $0x3F800000, v0  }
0x65: {  	v13 =	vld [tilespmem:s11+$0xFFFFFF10];
	[tilespmem:s12+$0x110] =	vst v1;
	vm0 =	vle.f32 v7, $7.040000150e+01;
	vm1 =	vle.f32 v5, $4.000000000e+01;
	v1 =	vmul.f32 v4, v9  }
0x66: {  	[tilespmem:s12+$0x190] =	vst v3;
	vm2 =	vge.f32 v7, $0.0e+00;
	v5 =	vld [tilespmem:s11+$0xFFFFFF90];
	v3 =	vmul.f32 v4, v8;
	vm0 =	vmand vm0, vm1  }
0x67: {  	v8 =	vld [tilespmem:s11+$0xA0];
	vm0 =	vmand vm0, vm2;
	[tilespmem:s10+$0x50] =	vst v1;
	v1 =	vmul.f32 v4, v6  }
0x68: {  	v9 =	vld [tilespmem:s11+$0x20];
	v6 =	vand.u32 $0x7FFFFFFF, v10;
	[tilespmem:s10+$0xD0] =	vst v3;
	v3 =	vmul.f32 v4, v11;
	v4 =	vsel vm0, $0x3F800000, v0  }
0x69: {  	vm1 =	vle.f32 v12, $7.040000150e+01;
	v11 =	vld [tilespmem:s15+$0xFFFFFF40];
	vm0 =	vle.f32 v6, $4.000000000e+01;
	[tilespmem:s10+$0x150] =	vst v1;
	v1 =	vmul.f32 v4, v7  }
0x6a: {  	vm2 =	vge.f32 v12, $0.0e+00;
	v6 =	vld [tilespmem:s15+$0xFFFFFFC0];
	vm0 =	vmand vm1, vm0;
	v2 =	vmul.f32 v4, v2;
	[tilespmem:s10+$0x1D0] =	vst v3  }
0x6b: {  	vm0 =	vmand vm0, vm2;
	v3 =	vmul.f32 v4, v13;
	v7 =	vld [tilespmem:s15+$0xE0];
	[tilespmem:s12+$0xFFFFFE10] =	vst v1  }
0x6c: {  	v4 =	vmul.f32 v4, v5;
	v5 =	vand.u32 $0x7FFFFFFF, v8;
	v1 =	vsel vm0, $0x3F800000, v0;
	v13 =	vld [tilespmem:s15+$0x60];
	[tilespmem:s12+$0xFFFFFE90] =	vst v2  }
0x6d: {  	vm0 =	vle.f32 v9, $7.040000150e+01;
	vm1 =	vle.f32 v5, $4.000000000e+01;
	v2 =	vmul.f32 v1, v12;
	[tilespmem:s12+$0xFFFFFF10] =	vst v3;
	v3 =	vld [tilespmem:s11+$0x120]  }
0x6e: {  	vm2 =	vge.f32 v9, $0.0e+00;
	v5 =	vmul.f32 v1, v10;
	vm0 =	vmand vm0, vm1;
	[tilespmem:s12+$0xFFFFFF90] =	vst v4;
	v4 =	vld [tilespmem:s11+$0x1A0]  }
0x6f: {  	vm0 =	vmand vm0, vm2;
	v10 =	vld [tilespmem:s11+$0xFFFFFEA0];
	[tilespmem:s10+$0xFFFFFE40] =	vst v2;
	v2 =	vmul.f32 v1, v11  }
0x70: {  	v1 =	vmul.f32 v1, v6;
	[tilespmem:s10+$0xFFFFFEC0] =	vst v5;
	v5 =	vsel vm0, $0x3F800000, v0;
	v11 =	vld [tilespmem:s11+$0xFFFFFE20];
	v6 =	vand.u32 $0x7FFFFFFF, v7  }
0x71: {  	[tilespmem:s10+$0xFFFFFF40] =	vst v2;
	v2 =	vmul.f32 v5, v9;
	vm0 =	vle.f32 v13, $7.040000150e+01;
	vm1 =	vle.f32 v6, $4.000000000e+01  }
0x72: {  	[tilespmem:s10+$0xFFFFFFC0] =	vst v1;
	v1 =	vmul.f32 v5, v8;
	vm2 =	vge.f32 v13, $0.0e+00;
	v6 =	vld [tilespmem:s15+$0x160];
	vm0 =	vmand vm0, vm1  }
0x73: {  	[tilespmem:s12+$0x20] =	vst v2;
	v2 =	vmul.f32 v5, v3;
	v3 =	vld [tilespmem:s15+$0x1E0];
	vm0 =	vmand vm0, vm2  }
0x74: {  	[tilespmem:s12+$0xA0] =	vst v1;
	v1 =	vmul.f32 v5, v4;
	v5 =	vand.u32 $0x7FFFFFFF, v10;
	v4 =	vsel vm0, $0x3F800000, v0  }
0x75: {  	vm1 =	vle.f32 v5, $4.000000000e+01;
	[tilespmem:s12+$0x120] =	vst v2;
	vm0 =	vle.f32 v11, $7.040000150e+01;
	v2 =	vmul.f32 v4, v13  }
0x76: {  	vm2 =	vge.f32 v11, $0.0e+00;
	[tilespmem:s12+$0x1A0] =	vst v1;
	v1 =	vmul.f32 v4, v7;
	vm0 =	vmand vm0, vm1;
	v7 =	vld [tilespmem:s11+$0xFFFFFFA0]  }
0x77: {  	v5 =	vld [tilespmem:s11+$0xFFFFFF20];
	vm0 =	vmand vm0, vm2;
	[tilespmem:s10+$0x60] =	vst v2;
	v2 =	vmul.f32 v4, v6  }
0x78: {  	[tilespmem:s10+$0xE0] =	vst v1;
	v1 =	vmul.f32 v4, v3;
	v3 =	vsel vm0, $0x3F800000, v0;
	v4 =	vld [tilespmem:s11+$0xB0]  }
0x79: {  	v8 =	vld [tilespmem:s11+$0x30];
	[tilespmem:s10+$0x160] =	vst v2;
	v2 =	vmul.f32 v3, v11  }
0x7a: {  	s13 =	simm.s32 $0xA00  }
0x7b: {  	v16 =	vld [tilespmem:s13+$0x0];
	[tilespmem:s12+$0xFFFFFE20] =	vst v2;
	v2 =	vmul.f32 v3, v7  }
0x7c: {  	v12 =	vld [tilespmem:s11+$0x1B0];
	v9 =	vmul.f32 v3, v10;
	[tilespmem:s10+$0x1E0] =	vst v1  }
0x7d: {  	v6 =	vld [tilespmem:s15+$0xFFFFFED0];
	v1 =	vmul.f32 v3, v5;
	[tilespmem:s12+$0xFFFFFFA0] =	vst v2;
	v2 =	vand.u32 $0x7FFFFFFF, v4  }
0x7e: {  	v10 =	vld [tilespmem:s15+$0xFFFFFE50];
	[tilespmem:s12+$0xFFFFFEA0] =	vst v9;
	vm0 =	vle.f32 v8, $7.040000150e+01;
	vm1 =	vle.f32 v2, $4.000000000e+01  }
0x7f: {  	v11 =	vld [tilespmem:s11+$0x130];
	vm2 =	vge.f32 v8, $0.0e+00;
	[tilespmem:s12+$0xFFFFFF20] =	vst v1;
	vm0 =	vmand vm0, vm1  }
0x80: {  	v9 =	vld [tilespmem:s11+$0xFFFFFEB0];
	vm0 =	vmand vm0, vm2  }
0x81: {  	v13 =	vld [tilespmem:s11+$0xFFFFFE30];
	v14 =	vsel vm0, $0x3F800000, v0  }
0x82: {  	v19 =	vld [tilespmem:s13+$0xFFFFFF00];
	v8 =	vmul.f32 v14, v8  }
0x83: {  	v15 =	vld [tilespmem:s13+$0x80];
	v3 =	vand.u32 $0x7FFFFFFF, v6;
	vm1 =	vle.f32 v10, $7.040000150e+01;
	v4 =	vmul.f32 v14, v4  }
0x84: {  	v5 =	vld [tilespmem:s15+$0xFFFFFF50];
	vm2 =	vge.f32 v10, $0.0e+00;
	vm0 =	vle.f32 v3, $4.000000000e+01;
	[tilespmem:s12+$0x30] =	vst v8;
	v8 =	vmul.f32 v14, v11  }
0x85: {  	v7 =	vld [tilespmem:s15+$0xFFFFFFD0];
	vm0 =	vmand vm1, vm0;
	v11 =	vand.u32 $0x7FFFFFFF, v9;
	[tilespmem:s12+$0xB0] =	vst v4;
	v4 =	vmul.f32 v14, v12  }
0x86: {  	vm0 =	vmand vm0, vm2;
	vm1 =	vle.f32 v13, $7.040000150e+01;
	v12 =	vld [tilespmem:s11+$0xFFFFFF30];
	vm2 =	vle.f32 v11, $4.000000000e+01;
	[tilespmem:s12+$0x130] =	vst v8  }
0x87: {  	v11 =	vld [tilespmem:s11+$0xFFFFFFB0];
	v8 =	vsel vm0, $0x3F800000, v0;
	vm0 =	vge.f32 v13, $0.0e+00;
	vm1 =	vmand vm1, vm2;
	[tilespmem:s12+$0x1B0] =	vst v4  }
0x88: {  	v4 =	vmul.f32 v8, v10;
	vm0 =	vmand vm1, vm0;
	v10 =	vld [tilespmem:s11+$0xC0]  }
0x89: {  	v17 =	vand.u32 $0x7FFFFFFF, v15;
	v6 =	vmul.f32 v8, v6;
	v18 =	vld [tilespmem:s11+$0x40];
	v14 =	vsel vm0, $0x3F800000, v0  }
0x8a: {  	vm1 =	vle.f32 v17, $4.000000000e+01;
	vm0 =	vle.f32 v16, $7.040000150e+01;
	[tilespmem:s10+$0xFFFFFE50] =	vst v4;
	v4 =	vld [tilespmem:s13+$0xFFFFFE80];
	v13 =	vmul.f32 v14, v13  }
0x8b: {  	vm2 =	vge.f32 v16, $0.0e+00;
	[tilespmem:s10+$0xFFFFFED0] =	vst v6;
	v6 =	vmul.f32 v14, v9;
	v9 =	vld [tilespmem:s13+$0x100];
	vm0 =	vmand vm0, vm1  }
0x8c: {  	v12 =	vmul.f32 v14, v12;
	vm0 =	vmand vm0, vm2;
	[tilespmem:s12+$0xFFFFFE30] =	vst v13;
	v13 =	vld [tilespmem:s13+$0x180]  }
0x8d: {  	v17 =	vld [tilespmem:s13+$0xFFFFFE00];
	v11 =	vmul.f32 v14, v11;
	[tilespmem:s12+$0xFFFFFEB0] =	vst v6;
	v6 =	vsel vm0, $0x3F800000, v0;
	v14 =	vand.u32 $0x7FFFFFFF, v10  }
0x8e: {  	v1 =	vld [tilespmem:s15+$0xF0];
	[tilespmem:s12+$0xFFFFFF30] =	vst v12;
	v12 =	vmul.f32 v6, v16;
	vm0 =	vle.f32 v18, $7.040000150e+01;
	vm1 =	vle.f32 v14, $4.000000000e+01  }
0x8f: {  	s14 =	simm.s32 $0xCE00;
	[tilespmem:s12+$0xFFFFFFB0] =	vst v11;
	v11 =	vmul.f32 v6, v15;
	vm2 =	vge.f32 v18, $0.0e+00;
	v14 =	vld [tilespmem:s11+$0x140];
	vm0 =	vmand vm0, vm1  }
0x90: {  	[tilespmem:s14+$0x0] =	vst v12;
	v9 =	vmul.f32 v6, v9;
	v12 =	vld [tilespmem:s11+$0x1C0];
	vm0 =	vmand vm0, vm2  }
0x91: {  	v16 =	vld [tilespmem:s11+$0xFFFFFEC0];
	v15 =	vand.u32 $0x7FFFFFFF, v4;
	[tilespmem:s14+$0x80] =	vst v11;
	v6 =	vmul.f32 v6, v13;
	v11 =	vsel vm0, $0x3F800000, v0  }
0x92: {  	vm1 =	vle.f32 v15, $4.000000000e+01;
	v15 =	vld [tilespmem:s11+$0xFFFFFE40];
	vm0 =	vle.f32 v17, $7.040000150e+01;
	[tilespmem:s14+$0x100] =	vst v9;
	v9 =	vmul.f32 v11, v18  }
0x93: {  	v13 =	vld [tilespmem:s13+$0xFFFFFF80];
	vm0 =	vmand vm0, vm1;
	vm1 =	vge.f32 v17, $0.0e+00;
	[tilespmem:s14+$0x180] =	vst v6;
	v6 =	vmul.f32 v11, v10  }
0x94: {  	vm0 =	vmand vm0, vm1;
	v10 =	vld [tilespmem:s13+$0x90];
	[tilespmem:s12+$0x40] =	vst v9;
	v9 =	vmul.f32 v11, v14  }
0x95: {  	v5 =	vmul.f32 v8, v5;
	v14 =	vsel vm0, $0x3F800000, v0;
	v18 =	vld [tilespmem:s13+$0x10];
	[tilespmem:s12+$0xC0] =	vst v6;
	v6 =	vmul.f32 v11, v12  }
0x96: {  	v2 =	vld [tilespmem:s15+$0x70];
	v7 =	vmul.f32 v8, v7;
	v12 =	vmul.f32 v14, v17;
	[tilespmem:s12+$0x140] =	vst v9  }
0x97: {  	v8 =	vld [tilespmem:s11+$0xFFFFFFC0];
	v17 =	vand.u32 $0x7FFFFFFF, v16;
	v4 =	vmul.f32 v14, v4;
	vm1 =	vle.f32 v15, $7.040000150e+01;
	[tilespmem:s12+$0x1C0] =	vst v6  }
0x98: {  	vm2 =	vge.f32 v15, $0.0e+00;
	vm0 =	vle.f32 v17, $4.000000000e+01;
	v9 =	vmul.f32 v14, v13;
	[tilespmem:s14+$0xFFFFFE00] =	vst v12;
	v12 =	vld [tilespmem:s11+$0xD0]  }
0x99: {  	v6 =	vmul.f32 v14, v19;
	vm0 =	vmand vm1, vm0;
	[tilespmem:s14+$0xFFFFFE80] =	vst v4;
	v13 =	vld [tilespmem:s11+$0x50];
	v4 =	vand.u32 $0x7FFFFFFF, v10  }
0x9a: {  	[tilespmem:s10+$0xFFFFFF50] =	vst v5;
	v11 =	vld [tilespmem:s11+$0xFFFFFF40];
	vm0 =	vmand vm0, vm2;
	vm1 =	vle.f32 v18, $7.040000150e+01;
	vm2 =	vle.f32 v4, $4.000000000e+01  }
0x9b: {  	[tilespmem:s14+$0xFFFFFF80] =	vst v9;
	v14 =	vsel vm0, $0x3F800000, v0;
	vm0 =	vge.f32 v18, $0.0e+00;
	v4 =	vld [tilespmem:s13+$0x110];
	vm1 =	vmand vm1, vm2  }
0x9c: {  	[tilespmem:s14+$0xFFFFFF00] =	vst v6;
	v6 =	vld [tilespmem:s13+$0x190];
	v5 =	vmul.f32 v14, v15;
	vm0 =	vmand vm1, vm0  }
0x9d: {  	[tilespmem:s10+$0xFFFFFFD0] =	vst v7;
	v9 =	vld [tilespmem:s13+$0xFFFFFE90];
	v7 =	vmul.f32 v14, v16;
	v15 =	vsel vm0, $0x3F800000, v0;
	v16 =	vand.u32 $0x7FFFFFFF, v12  }
0x9e: {  	v17 =	vld [tilespmem:s13+$0xFFFFFE10];
	[tilespmem:s12+$0xFFFFFE40] =	vst v5;
	vm0 =	vle.f32 v13, $7.040000150e+01;
	v5 =	vmul.f32 v15, v18;
	vm1 =	vle.f32 v16, $4.000000000e+01  }
0x9f: {  	[tilespmem:s12+$0xFFFFFEC0] =	vst v7;
	vm2 =	vge.f32 v13, $0.0e+00;
	v7 =	vmul.f32 v15, v10;
	v10 =	vld [tilespmem:s11+$0x150];
	vm0 =	vmand vm0, vm1  }
0xa0: {  	v16 =	vld [tilespmem:s11+$0x1D0];
	v4 =	vmul.f32 v15, v4;
	[tilespmem:s14+$0x10] =	vst v5;
	vm0 =	vmand vm0, vm2  }
0xa1: {  	v3 =	vld [tilespmem:s15+$0x1F0];
	v6 =	vmul.f32 v15, v6;
	[tilespmem:s14+$0x90] =	vst v7;
	v7 =	vsel vm0, $0x3F800000, v0  }
0xa2: {  	v18 =	vld [tilespmem:s13+$0xFFFFFF10];
	v15 =	vand.u32 $0x7FFFFFFF, v9;
	[tilespmem:s14+$0x110] =	vst v4;
	v4 =	vmul.f32 v7, v13  }
0xa3: {  	vm1 =	vle.f32 v15, $4.000000000e+01;
	[tilespmem:s14+$0x190] =	vst v6;
	vm0 =	vle.f32 v17, $7.040000150e+01;
	v13 =	vld [tilespmem:s13+$0xFFFFFF90];
	v6 =	vmul.f32 v7, v12  }
0xa4: {  	vm2 =	vge.f32 v17, $0.0e+00;
	vm0 =	vmand vm0, vm1;
	v12 =	vld [tilespmem:s13+$0xA0];
	[tilespmem:s12+$0x50] =	vst v4;
	v4 =	vmul.f32 v7, v10  }
0xa5: {  	vm0 =	vmand vm0, vm2;
	v10 =	vld [tilespmem:s13+$0x20];
	[tilespmem:s12+$0xD0] =	vst v6;
	v7 =	vmul.f32 v7, v16  }
0xa6: {  	v19 =	vld [tilespmem:s15+$0x170];
	v8 =	vmul.f32 v14, v8;
	v15 =	vsel vm0, $0x3F800000, v0;
	v16 =	vand.u32 $0x7FFFFFFF, v1;
	[tilespmem:s12+$0x150] =	vst v4  }
0xa7: {  	v5 =	vld [tilespmem:s15+$0xFFFFFEE0];
	vm0 =	vle.f32 v2, $7.040000150e+01;
	v17 =	vmul.f32 v15, v17;
	vm1 =	vle.f32 v16, $4.000000000e+01;
	[tilespmem:s12+$0x1D0] =	vst v7  }
0xa8: {  	[tilespmem:s12+$0xFFFFFFC0] =	vst v8;
	vm2 =	vge.f32 v2, $0.0e+00;
	v9 =	vmul.f32 v15, v9;
	vm0 =	vmand vm0, vm1;
	v16 =	vld [tilespmem:s11+$0xE0]  }
0xa9: {  	v7 =	vmul.f32 v15, v18;
	[tilespmem:s14+$0xFFFFFE10] =	vst v17;
	v13 =	vmul.f32 v15, v13;
	v15 =	vand.u32 $0x7FFFFFFF, v12;
	v17 =	vld [tilespmem:s11+$0x60]  }
0xaa: {  	v6 =	vld [tilespmem:s15+$0xFFFFFE60];
	vm0 =	vmand vm0, vm2;
	[tilespmem:s14+$0xFFFFFE90] =	vst v9;
	vm2 =	vle.f32 v15, $4.000000000e+01;
	vm1 =	vle.f32 v10, $7.040000150e+01  }
0xab: {  	v9 =	vmul.f32 v14, v11;
	[tilespmem:s14+$0xFFFFFF10] =	vst v7;
	v7 =	vld [tilespmem:s13+$0x120];
	vm3 =	vge.f32 v10, $0.0e+00;
	vm1 =	vmand vm1, vm2  }
0xac: {  	v11 =	vld [tilespmem:s13+$0x1A0];
	[tilespmem:s14+$0xFFFFFF90] =	vst v13;
	v13 =	vsel vm0, $0x3F800000, v0;
	vm0 =	vmand vm1, vm3  }
0xad: {  	[tilespmem:s12+$0xFFFFFF40] =	vst v9;
	v9 =	vld [tilespmem:s13+$0xFFFFFEA0];
	v3 =	vmul.f32 v13, v3;
	v8 =	vsel vm0, $0x3F800000, v0;
	v14 =	vand.u32 $0x7FFFFFFF, v16  }
0xae: {  	v15 =	vld [tilespmem:s13+$0xFFFFFE20];
	vm0 =	vle.f32 v17, $7.040000150e+01;
	v10 =	vmul.f32 v8, v10;
	vm1 =	vle.f32 v14, $4.000000000e+01  }
0xaf: {  	[tilespmem:s10+$0x1F0] =	vst v3;
	vm2 =	vge.f32 v17, $0.0e+00;
	v3 =	vmul.f32 v8, v12;
	v12 =	vld [tilespmem:s11+$0x160];
	vm0 =	vmand vm0, vm1  }
0xb0: {  	v7 =	vmul.f32 v8, v7;
	[tilespmem:s14+$0x20] =	vst v10;
	v10 =	vld [tilespmem:s11+$0x1E0];
	vm0 =	vmand vm0, vm2  }
0xb1: {  	v4 =	vld [tilespmem:s15+$0xFFFFFF60];
	[tilespmem:s14+$0xA0] =	vst v3;
	v3 =	vmul.f32 v8, v11;
	v8 =	vsel vm0, $0x3F800000, v0  }
0xb2: {  	v18 =	vld [tilespmem:s11+$0xFFFFFED0];
	v11 =	vand.u32 $0x7FFFFFFF, v9;
	[tilespmem:s14+$0x120] =	vst v7;
	v7 =	vmul.f32 v8, v17  }
0xb3: {  	v20 =	vld [tilespmem:s11+$0xFFFFFF50];
	vm0 =	vle.f32 v15, $7.040000150e+01;
	vm1 =	vle.f32 v11, $4.000000000e+01;
	[tilespmem:s14+$0x1A0] =	vst v3;
	v3 =	vmul.f32 v8, v16  }
0xb4: {  	vm2 =	vge.f32 v15, $0.0e+00;
	v11 =	vld [tilespmem:s13+$0xFFFFFF20];
	vm0 =	vmand vm0, vm1;
	[tilespmem:s12+$0x60] =	vst v7;
	v7 =	vmul.f32 v8, v12  }
0xb5: {  	v14 =	vld [tilespmem:s11+$0xFFFFFE50];
	vm0 =	vmand vm0, vm2;
	[tilespmem:s12+$0xE0] =	vst v3;
	v3 =	vmul.f32 v8, v10  }
0xb6: {  	v16 =	vld [tilespmem:s13+$0xFFFFFFA0];
	v8 =	vsel vm0, $0x3F800000, v0;
	v10 =	vmul.f32 v13, v2;
	[tilespmem:s12+$0x160] =	vst v7  }
0xb7: {  	v17 =	vld [tilespmem:s13+$0xB0];
	v7 =	vmul.f32 v8, v15;
	[tilespmem:s12+$0x1E0] =	vst v3  }
0xb8: {  	v12 =	vld [tilespmem:s11+$0xFFFFFFD0];
	v15 =	vmul.f32 v13, v1;
	v9 =	vmul.f32 v8, v9;
	[tilespmem:s10+$0x70] =	vst v10  }
0xb9: {  	v13 =	vmul.f32 v13, v19;
	v1 =	vand.u32 $0x7FFFFFFF, v18;
	v19 =	vld [tilespmem:s13+$0x30];
	v11 =	vmul.f32 v8, v11;
	[tilespmem:s14+$0xFFFFFE20] =	vst v7  }
0xba: {  	vm3 =	vle.f32 v6, $7.040000150e+01;
	vm1 =	vle.f32 v14, $7.040000150e+01;
	v2 =	vld [tilespmem:s15+$0xFFFFFFE0];
	vm0 =	vle.f32 v1, $4.000000000e+01;
	[tilespmem:s14+$0xFFFFFEA0] =	vst v9  }
0xbb: {  	vm2 =	vge.f32 v14, $0.0e+00;
	v7 =	vmul.f32 v8, v16;
	v1 =	vld [tilespmem:s11+$0xF0];
	vm0 =	vmand vm1, vm0;
	[tilespmem:s14+$0xFFFFFF20] =	vst v11  }
0xbc: {  	v8 =	vand.u32 $0x7FFFFFFF, v5;
	v3 =	vld [tilespmem:s11+$0x70];
	v10 =	vand.u32 $0x7FFFFFFF, v17;
	[tilespmem:s10+$0x170] =	vst v13;
	vm0 =	vmand vm0, vm2  }
0xbd: {  	v13 =	vld [tilespmem:s13+$0x130];
	vm1 =	vle.f32 v8, $4.000000000e+01;
	vm2 =	vle.f32 v10, $4.000000000e+01;
	[tilespmem:s14+$0xFFFFFFA0] =	vst v7;
	v7 =	vsel vm0, $0x3F800000, v0  }
0xbe: {  	vm1 =	vmand vm3, vm1;
	v9 =	vld [tilespmem:s13+$0xFFFFFEB0];
	v11 =	vmul.f32 v7, v14;
	vm0 =	vle.f32 v19, $7.040000150e+01  }
0xbf: {  	[tilespmem:s10+$0xF0] =	vst v15;
	v14 =	vld [tilespmem:s13+$0xFFFFFE30];
	v10 =	vmul.f32 v7, v18;
	vm3 =	vge.f32 v19, $0.0e+00;
	vm0 =	vmand vm0, vm2  }
0xc0: {  	v15 =	vmul.f32 v7, v20;
	vm2 =	vge.f32 v6, $0.0e+00;
	[tilespmem:s12+$0xFFFFFE50] =	vst v11;
	v11 =	vld [tilespmem:s13+$0x1B0];
	vm0 =	vmand vm0, vm3  }
0xc1: {  	v8 =	vld [tilespmem:s11+$0x1F0];
	v12 =	vmul.f32 v7, v12;
	vm1 =	vmand vm1, vm2;
	[tilespmem:s12+$0xFFFFFED0] =	vst v10;
	v16 =	vsel vm0, $0x3F800000, v0  }
0xc2: {  	v10 =	vld [tilespmem:s13+$0xFFFFFF30];
	[tilespmem:s12+$0xFFFFFF50] =	vst v15;
	v7 =	vsel vm1, $0x3F800000, v0;
	v18 =	vmul.f32 v16, v19  }
0xc3: {  	s16 =	simm.s32 $0xE00;
	v15 =	vld [tilespmem:s13+$0xFFFFFFB0];
	[tilespmem:s12+$0xFFFFFFD0] =	vst v12;
	v19 =	vmul.f32 v7, v6;
	v17 =	vmul.f32 v16, v17;
	v12 =	vand.u32 $0x7FFFFFFF, v9  }
0xc4: {  	v13 =	vmul.f32 v16, v13;
	vm0 =	vle.f32 v14, $7.040000150e+01;
	vm1 =	vle.f32 v12, $4.000000000e+01;
	v12 =	vld [tilespmem:s16+$0x80];
	[tilespmem:s14+$0x30] =	vst v18  }
0xc5: {  	vm2 =	vge.f32 v14, $0.0e+00;
	v18 =	vld [tilespmem:s16+$0x0];
	[tilespmem:s14+$0xB0] =	vst v17;
	vm0 =	vmand vm0, vm1;
	v11 =	vmul.f32 v16, v11  }
0xc6: {  	v6 =	vld [tilespmem:s11+$0x170];
	v5 =	vmul.f32 v7, v5;
	[tilespmem:s14+$0x130] =	vst v13;
	v16 =	vand.u32 $0x7FFFFFFF, v1;
	vm0 =	vmand vm0, vm2  }
0xc7: {  	v17 =	vld [tilespmem:s16+$0xFFFFFE80];
	vm1 =	vle.f32 v3, $7.040000150e+01;
	vm2 =	vle.f32 v16, $4.000000000e+01;
	v13 =	vsel vm0, $0x3F800000, v0;
	[tilespmem:s14+$0x1B0] =	vst v11  }
0xc8: {  	[tilespmem:s10+$0xFFFFFE60] =	vst v19;
	vm0 =	vge.f32 v3, $0.0e+00;
	vm1 =	vmand vm1, vm2;
	v11 =	vmul.f32 v13, v14;
	v14 =	vld [tilespmem:s13+$0xC0]  }
0xc9: {  	[tilespmem:s10+$0xFFFFFEE0] =	vst v5;
	vm0 =	vmand vm1, vm0;
	v5 =	vmul.f32 v13, v9;
	v19 =	vld [tilespmem:s13+$0x40];
	v9 =	vand.u32 $0x7FFFFFFF, v12  }
0xca: {  	v16 =	vld [tilespmem:s16+$0xFFFFFE00];
	v10 =	vmul.f32 v13, v10;
	vm1 =	vle.f32 v18, $7.040000150e+01;
	[tilespmem:s14+$0xFFFFFE30] =	vst v11;
	vm2 =	vle.f32 v9, $4.000000000e+01  }
0xcb: {  	vm3 =	vge.f32 v18, $0.0e+00;
	v9 =	vmul.f32 v13, v15;
	[tilespmem:s14+$0xFFFFFEB0] =	vst v5;
	v5 =	vld [tilespmem:s16+$0x100];
	vm1 =	vmand vm1, vm2  }
0xcc: {  	v4 =	vmul.f32 v7, v4;
	v13 =	vsel vm0, $0x3F800000, v0;
	[tilespmem:s14+$0xFFFFFF30] =	vst v10;
	v10 =	vld [tilespmem:s16+$0x180];
	vm0 =	vmand vm1, vm3  }
0xcd: {  	v11 =	vld [tilespmem:s16+$0xFFFFFF00];
	v8 =	vmul.f32 v13, v8;
	[tilespmem:s14+$0xFFFFFFB0] =	vst v9;
	v15 =	vsel vm0, $0x3F800000, v0;
	v20 =	vand.u32 $0x7FFFFFFF, v14  }
0xce: {  	[tilespmem:s10+$0xFFFFFF60] =	vst v4;
	vm0 =	vle.f32 v19, $7.040000150e+01;
	v4 =	vmul.f32 v15, v18;
	v18 =	vld [tilespmem:s13+$0xFFFFFEC0];
	vm1 =	vle.f32 v20, $4.000000000e+01  }
0xcf: {  	s17 =	simm.s32 $0xD200;
	[tilespmem:s12+$0x1F0] =	vst v8;
	vm2 =	vge.f32 v19, $0.0e+00;
	v8 =	vmul.f32 v15, v12;
	v12 =	vld [tilespmem:s13+$0x140];
	vm0 =	vmand vm0, vm1  }
0xd0: {  	[tilespmem:s17+$0x0] =	vst v4;
	v4 =	vmul.f32 v15, v5;
	v5 =	vld [tilespmem:s13+$0x1C0];
	vm0 =	vmand vm0, vm2  }
0xd1: {  	v20 =	vand.u32 $0x7FFFFFFF, v17;
	[tilespmem:s17+$0x80] =	vst v8;
	v8 =	vmul.f32 v15, v10;
	v10 =	vld [tilespmem:s13+$0xFFFFFE40];
	v15 =	vsel vm0, $0x3F800000, v0  }
0xd2: {  	v9 =	vld [tilespmem:s16+$0xFFFFFF80];
	vm1 =	vle.f32 v20, $4.000000000e+01;
	vm0 =	vle.f32 v16, $7.040000150e+01;
	[tilespmem:s17+$0x100] =	vst v4;
	v4 =	vmul.f32 v15, v19  }
0xd3: {  	v20 =	vld [tilespmem:s13+$0xFFFFFF40];
	vm0 =	vmand vm0, vm1;
	vm1 =	vge.f32 v16, $0.0e+00;
	[tilespmem:s17+$0x180] =	vst v8;
	v8 =	vmul.f32 v15, v14  }
0xd4: {  	vm0 =	vmand vm0, vm1;
	v14 =	vld [tilespmem:s16+$0x90];
	[tilespmem:s14+$0x40] =	vst v4;
	v4 =	vmul.f32 v15, v12  }
0xd5: {  	v21 =	vand.u32 $0x7FFFFFFF, v18;
	v22 =	vld [tilespmem:s16+$0x10];
	v12 =	vsel vm0, $0x3F800000, v0;
	[tilespmem:s14+$0xC0] =	vst v8;
	v8 =	vmul.f32 v15, v5  }
0xd6: {  	v19 =	vld [tilespmem:s13+$0xFFFFFFC0];
	vm0 =	vle.f32 v21, $4.000000000e+01;
	v15 =	vmul.f32 v12, v16;
	vm1 =	vle.f32 v10, $7.040000150e+01;
	[tilespmem:s14+$0x140] =	vst v4  }
0xd7: {  	v5 =	vld [tilespmem:s11+$0xFFFFFEE0];
	vm2 =	vge.f32 v10, $0.0e+00;
	v4 =	vmul.f32 v12, v17;
	vm0 =	vmand vm1, vm0;
	[tilespmem:s14+$0x1C0] =	vst v8  }
0xd8: {  	v11 =	vmul.f32 v12, v11;
	[tilespmem:s17+$0xFFFFFE00] =	vst v15;
	vm0 =	vmand vm0, vm2;
	v15 =	vld [tilespmem:s13+$0xD0]  }
0xd9: {  	v9 =	vmul.f32 v12, v9;
	[tilespmem:s17+$0xFFFFFE80] =	vst v4;
	v4 =	vand.u32 $0x7FFFFFFF, v14;
	v12 =	vsel vm0, $0x3F800000, v0;
	v16 =	vld [tilespmem:s13+$0x50]  }
0xda: {  	v17 =	vld [tilespmem:s16+$0x190];
	[tilespmem:s17+$0xFFFFFF00] =	vst v11;
	vm0 =	vle.f32 v22, $7.040000150e+01;
	vm1 =	vle.f32 v4, $4.000000000e+01;
	v10 =	vmul.f32 v12, v10  }
0xdb: {  	[tilespmem:s17+$0xFFFFFF80] =	vst v9;
	v9 =	vld [tilespmem:s16+$0x110];
	vm2 =	vge.f32 v22, $0.0e+00;
	v11 =	vmul.f32 v12, v18;
	vm0 =	vmand vm0, vm1  }
0xdc: {  	v8 =	vld [tilespmem:s11+$0xFFFFFE60];
	vm0 =	vmand vm0, vm2;
	[tilespmem:s14+$0xFFFFFE40] =	vst v10;
	v10 =	vmul.f32 v12, v20  }
0xdd: {  	v18 =	vld [tilespmem:s16+$0xFFFFFE90];
	v12 =	vmul.f32 v12, v19;
	[tilespmem:s14+$0xFFFFFEC0] =	vst v11;
	v19 =	vsel vm0, $0x3F800000, v0;
	v11 =	vand.u32 $0x7FFFFFFF, v15  }
0xde: {  	v20 =	vld [tilespmem:s16+$0xFFFFFE10];
	v60 =	vmul.f32 v19, v22;
	[tilespmem:s14+$0xFFFFFF40] =	vst v10;
	vm0 =	vle.f32 v16, $7.040000150e+01;
	vm1 =	vle.f32 v11, $4.000000000e+01  }
0xdf: {  	v10 =	vmul.f32 v19, v14;
	[tilespmem:s14+$0xFFFFFFC0] =	vst v12;
	vm2 =	vge.f32 v16, $0.0e+00;
	v12 =	vld [tilespmem:s13+$0x1D0];
	vm0 =	vmand vm0, vm1  }
0xe0: {  	v9 =	vmul.f32 v19, v9;
	v11 =	vld [tilespmem:s13+$0x150];
	[tilespmem:s17+$0x10] =	vst v60;
	vm0 =	vmand vm0, vm2  }
0xe1: {  	v2 =	vmul.f32 v7, v2;
	v4 =	vld [tilespmem:s11+$0xFFFFFF60];
	[tilespmem:s17+$0x90] =	vst v10;
	v10 =	vmul.f32 v19, v17;
	v14 =	vsel vm0, $0x3F800000, v0  }
0xe2: {  	v3 =	vmul.f32 v13, v3;
	v7 =	vld [tilespmem:s16+$0xFFFFFF10];
	v19 =	vand.u32 $0x7FFFFFFF, v18;
	[tilespmem:s17+$0x110] =	vst v9;
	v9 =	vmul.f32 v14, v16  }
0xe3: {  	v17 =	vld [tilespmem:s16+$0xFFFFFF90];
	vm1 =	vle.f32 v19, $4.000000000e+01;
	vm0 =	vle.f32 v20, $7.040000150e+01;
	[tilespmem:s17+$0x190] =	vst v10;
	v15 =	vmul.f32 v14, v15  }
0xe4: {  	vm2 =	vge.f32 v20, $0.0e+00;
	vm0 =	vmand vm0, vm1;
	v16 =	vld [tilespmem:s16+$0xA0];
	v12 =	vmul.f32 v14, v12;
	[tilespmem:s14+$0x50] =	vst v9  }
0xe5: {  	v1 =	vmul.f32 v13, v1;
	vm0 =	vmand vm0, vm2;
	v9 =	vmul.f32 v14, v11;
	v11 =	vld [tilespmem:s16+$0x20];
	[tilespmem:s14+$0xD0] =	vst v15  }
0xe6: {  	v6 =	vmul.f32 v13, v6;
	v13 =	vand.u32 $0x7FFFFFFF, v5;
	v10 =	vld [tilespmem:s13+$0xFFFFFED0];
	v14 =	vsel vm0, $0x3F800000, v0;
	[tilespmem:s14+$0x1D0] =	vst v12  }
0xe7: {  	vm1 =	vle.f32 v8, $7.040000150e+01;
	v15 =	vld [tilespmem:s13+$0xFFFFFE50];
	vm0 =	vle.f32 v13, $4.000000000e+01;
	[tilespmem:s14+$0x150] =	vst v9;
	v9 =	vmul.f32 v14, v20  }
0xe8: {  	[tilespmem:s10+$0xFFFFFFE0] =	vst v2;
	vm0 =	vmand vm1, vm0;
	vm1 =	vge.f32 v8, $0.0e+00;
	v2 =	vmul.f32 v14, v18;
	v12 =	vld [tilespmem:s13+$0xE0]  }
0xe9: {  	v7 =	vmul.f32 v14, v7;
	vm0 =	vmand vm0, vm1;
	v18 =	vld [tilespmem:s13+$0x60];
	[tilespmem:s17+$0xFFFFFE10] =	vst v9;
	v9 =	vand.u32 $0x7FFFFFFF, v16  }
0xea: {  	v13 =	vld [tilespmem:s13+$0xFFFFFF50];
	v14 =	vmul.f32 v14, v17;
	[tilespmem:s17+$0xFFFFFE90] =	vst v2;
	vm1 =	vle.f32 v11, $7.040000150e+01;
	vm2 =	vle.f32 v9, $4.000000000e+01  }
0xeb: {  	v2 =	vand.u32 $0x7FFFFFFF, v10;
	[tilespmem:s17+$0xFFFFFF10] =	vst v7;
	v7 =	vld [tilespmem:s16+$0x120];
	vm3 =	vge.f32 v11, $0.0e+00;
	vm1 =	vmand vm1, vm2  }
0xec: {  	v17 =	vsel vm0, $0x3F800000, v0;
	vm0 =	vle.f32 v2, $4.000000000e+01;
	[tilespmem:s17+$0xFFFFFF90] =	vst v14;
	v2 =	vld [tilespmem:s16+$0x1A0];
	vm1 =	vmand vm1, vm3  }
0xed: {  	[tilespmem:s12+$0x70] =	vst v3;
	v8 =	vmul.f32 v17, v8;
	v14 =	vld [tilespmem:s16+$0xFFFFFEA0];
	v19 =	vsel vm1, $0x3F800000, v0;
	v20 =	vand.u32 $0x7FFFFFFF, v12  }
0xee: {  	[tilespmem:s12+$0xF0] =	vst v1;
	v3 =	vld [tilespmem:s16+$0xFFFFFE20];
	vm1 =	vle.f32 v18, $7.040000150e+01;
	v11 =	vmul.f32 v19, v11;
	vm3 =	vle.f32 v20, $4.000000000e+01  }
0xef: {  	[tilespmem:s12+$0x170] =	vst v6;
	v1 =	vmul.f32 v19, v16;
	v16 =	vld [tilespmem:s13+$0x160];
	vm1 =	vmand vm1, vm3;
	vm3 =	vge.f32 v18, $0.0e+00  }
0xf0: {  	v61 =	vmul.f32 v17, v5;
	v6 =	vmul.f32 v19, v7;
	v7 =	vld [tilespmem:s13+$0x1E0];
	[tilespmem:s17+$0x20] =	vst v11;
	vm1 =	vmand vm1, vm3  }
0xf1: {  	v9 =	vld [tilespmem:s13+$0xFFFFFFD0];
	vm2 =	vle.f32 v15, $7.040000150e+01;
	[tilespmem:s17+$0xA0] =	vst v1;
	v1 =	vmul.f32 v19, v2;
	v2 =	vsel vm1, $0x3F800000, v0  }
0xf2: {  	vm4 =	vge.f32 v15, $0.0e+00;
	vm0 =	vmand vm2, vm0;
	v11 =	vld [tilespmem:s16+$0xFFFFFF20];
	[tilespmem:s17+$0x120] =	vst v6;
	v6 =	vmul.f32 v2, v18  }
0xf3: {  	vm0 =	vmand vm0, vm4;
	v20 =	vand.u32 $0x7FFFFFFF, v14;
	v19 =	vld [tilespmem:s16+$0xFFFFFFA0];
	[tilespmem:s17+$0x1A0] =	vst v1;
	v1 =	vmul.f32 v2, v12  }
0xf4: {  	vm2 =	vle.f32 v20, $4.000000000e+01;
	vm1 =	vle.f32 v3, $7.040000150e+01;
	v12 =	vld [tilespmem:s11+$0xFFFFFFE0];
	[tilespmem:s14+$0x60] =	vst v6;
	v6 =	vmul.f32 v2, v16  }
0xf5: {  	vm3 =	vge.f32 v3, $0.0e+00;
	vm1 =	vmand vm1, vm2;
	v18 =	vld [tilespmem:s15+$0xFFFFFEF0];
	[tilespmem:s14+$0xE0] =	vst v1;
	v1 =	vmul.f32 v2, v7  }
0xf6: {  	v23 =	vmul.f32 v17, v4;
	v16 =	vsel vm0, $0x3F800000, v0;
	vm0 =	vmand vm1, vm3;
	v7 =	vld [tilespmem:s15+$0xFFFFFE70];
	[tilespmem:s14+$0x160] =	vst v6  }
0xf7: {  	v62 =	vld [tilespmem:s16+$0xB0];
	v2 =	vmul.f32 v16, v15;
	v15 =	vsel vm0, $0x3F800000, v0;
	v5 =	vmul.f32 v16, v10;
	[tilespmem:s14+$0x1E0] =	vst v1  }
0xf8: {  	v10 =	vmul.f32 v16, v13;
	v3 =	vmul.f32 v15, v3;
	v1 =	vld [tilespmem:s13+$0xF0]  }
0xf9: {  	v6 =	vmul.f32 v15, v14;
	v11 =	vmul.f32 v15, v11;
	[tilespmem:s14+$0xFFFFFE50] =	vst v2;
	v2 =	vld [tilespmem:s13+$0x70]  }
0xfa: {  	v20 =	vld [tilespmem:s16+$0x30];
	v13 =	vmul.f32 v15, v19;
	v4 =	vmul.f32 v17, v12;
	[tilespmem:s17+$0xFFFFFE20] =	vst v3;
	v3 =	vand.u32 $0x7FFFFFFF, v18  }
0xfb: {  	v19 =	vld [tilespmem:s15+$0xFFFFFF70];
	[tilespmem:s17+$0xFFFFFEA0] =	vst v6;
	v6 =	vmul.f32 v16, v9;
	vm0 =	vle.f32 v7, $7.040000150e+01;
	vm1 =	vle.f32 v3, $4.000000000e+01  }
0xfc: {  	v15 =	vld [tilespmem:s16+$0x130];
	[tilespmem:s17+$0xFFFFFFA0] =	vst v13;
	v13 =	vand.u32 $0x7FFFFFFF, v62;
	vm2 =	vge.f32 v7, $0.0e+00;
	vm0 =	vmand vm0, vm1  }
0xfd: {  	[tilespmem:s17+$0xFFFFFF20] =	vst v11;
	v9 =	vld [tilespmem:s13+$0x1F0];
	vm3 =	vle.f32 v13, $4.000000000e+01;
	vm0 =	vmand vm0, vm2;
	v12 =	vand.u32 $0x7FFFFFFF, v1  }
0xfe: {  	[tilespmem:s14+$0xFFFFFED0] =	vst v5;
	v11 =	vld [tilespmem:s16+$0xFFFFFEB0];
	v5 =	vsel vm0, $0x3F800000, v0;
	vm0 =	vle.f32 v2, $7.040000150e+01;
	vm2 =	vle.f32 v12, $4.000000000e+01  }
0xff: {  	[tilespmem:s12+$0xFFFFFE60] =	vst v8;
	vm1 =	vle.f32 v20, $7.040000150e+01;
	vm15 =	vge.f32 v2, $0.0e+00;
	v12 =	vld [tilespmem:s16+$0xFFFFFE30];
	vm0 =	vmand vm0, vm2  }
0x100: {  	[tilespmem:s12+$0xFFFFFEE0] =	vst v61;
	v16 =	vld [tilespmem:s16+$0x1B0];
	vm1 =	vmand vm1, vm3;
	vm2 =	vge.f32 v20, $0.0e+00;
	vm0 =	vmand vm0, vm15  }
0x101: {  	v3 =	vld [tilespmem:s15+$0xFFFFFFF0];
	[tilespmem:s14+$0xFFFFFFD0] =	vst v6;
	v7 =	vmul.f32 v5, v7;
	vm1 =	vmand vm1, vm2;
	v6 =	vsel vm0, $0x3F800000, v0  }
0x102: {  	[tilespmem:s14+$0xFFFFFF50] =	vst v10;
	v10 =	vld [tilespmem:s13+$0x170];
	v8 =	vmul.f32 v5, v19;
	v17 =	vsel vm1, $0x3F800000, v0;
	v24 =	vmul.f32 v6, v9  }
0x103: {  	s19 =	simm.s32 $0x1200;
	[tilespmem:s12+$0xFFFFFF60] =	vst v23;
	v13 =	vld [tilespmem:s16+$0xFFFFFF30];
	v63 =	vand.u32 $0x7FFFFFFF, v11;
	v9 =	vmul.f32 v5, v18;
	v18 =	vmul.f32 v17, v20  }
0x104: {  	s18 =	simm.s32 $0x6;
	v14 =	vld [tilespmem:s16+$0xFFFFFFB0];
	s15 =	simm.s32 $0xD200;
	vm1 =	vle.f32 v63, $4.000000000e+01;
	v19 =	vmul.f32 v17, v62;
	vm0 =	vle.f32 v12, $7.040000150e+01;
	[tilespmem:s14+$0x1F0] =	vst v24  }
.LBB2_2:
0x105: {  	v20 =	vld [tilespmem:s19+$0x80];
	vm2 =	vge.f32 v12, $0.0e+00;
	vm0 =	vmand vm0, vm1;
	[tilespmem:s17+$0x30] =	vst v18;
	v15 =	vmul.f32 v17, v15  }
0x106: {  	v5 =	vmul.f32 v5, v3;
	v18 =	vld [tilespmem:s19+$0x0];
	vm0 =	vmand vm0, vm2;
	[tilespmem:s17+$0xB0] =	vst v19;
	v16 =	vmul.f32 v17, v16  }
0x107: {  	v2 =	vmul.f32 v6, v2;
	v1 =	vmul.f32 v6, v1;
	v17 =	vld [tilespmem:s19+$0xFFFFFE80];
	v3 =	vsel vm0, $0x3F800000, v0;
	[tilespmem:s17+$0x130] =	vst v15  }
0x108: {  	v15 =	vld [tilespmem:s19+$0xFFFFFE00];
	v12 =	vmul.f32 v3, v12;
	v11 =	vmul.f32 v3, v11;
	[tilespmem:s17+$0x1B0] =	vst v16  }
0x109: {  	v13 =	vmul.f32 v3, v13;
	v14 =	vmul.f32 v3, v14;
	v16 =	vld [tilespmem:s16+$0xC0];
	[tilespmem:s12+$0xFFFFFFE0] =	vst v4  }
0x10a: {  	v3 =	vmul.f32 v6, v10;
	v4 =	vand.u32 $0x7FFFFFFF, v20;
	[tilespmem:s17+$0xFFFFFE30] =	vst v12;
	v12 =	vld [tilespmem:s16+$0x40]  }
0x10b: {  	v6 =	vld [tilespmem:s19+$0xFFFFFF00];
	vm0 =	vle.f32 v18, $7.040000150e+01;
	vm1 =	vle.f32 v4, $4.000000000e+01;
	[tilespmem:s17+$0xFFFFFEB0] =	vst v11  }
0x10c: {  	vm2 =	vge.f32 v18, $0.0e+00;
	v4 =	vand.u32 $0x7FFFFFFF, v17;
	v10 =	vld [tilespmem:s19+$0x100];
	vm0 =	vmand vm0, vm1;
	[tilespmem:s17+$0xFFFFFF30] =	vst v13  }
0x10d: {  	vm1 =	vle.f32 v15, $7.040000150e+01;
	vm3 =	vle.f32 v4, $4.000000000e+01;
	v4 =	vld [tilespmem:s19+$0x180];
	vm0 =	vmand vm0, vm2;
	[tilespmem:s17+$0xFFFFFFB0] =	vst v14  }
0x10e: {  	v11 =	vld [tilespmem:s19+$0xFFFFFF80];
	vm1 =	vmand vm1, vm3;
	v13 =	vsel vm0, $0x3F800000, v0;
	v14 =	vand.u32 $0x7FFFFFFF, v16;
	[tilespmem:s10+$0xFFFFFE70] =	vst v7  }
0x10f: {  	v7 =	vmul.f32 v13, v18;
	v18 =	vld [tilespmem:s16+$0xFFFFFEC0];
	vm0 =	vle.f32 v12, $7.040000150e+01;
	vm2 =	vle.f32 v14, $4.000000000e+01;
	[tilespmem:s10+$0xFFFFFEF0] =	vst v9  }
0x110: {  	s17 =	sadd.s32 $0x400, s17;
	v9 =	vmul.f32 v13, v20;
	vm3 =	vge.f32 v12, $0.0e+00;
	v14 =	vld [tilespmem:s16+$0x140];
	vm0 =	vmand vm0, vm2;
	[tilespmem:s10+$0xFFFFFF70] =	vst v8  }
0x111: {  	vm2 =	vge.f32 v15, $0.0e+00;
	[tilespmem:s17+$0x0] =	vst v7;
	v7 =	vmul.f32 v13, v10;
	v8 =	vld [tilespmem:s16+$0x1C0];
	vm0 =	vmand vm0, vm3  }
0x112: {  	vm1 =	vmand vm1, vm2;
	[tilespmem:s17+$0x80] =	vst v9;
	v4 =	vmul.f32 v13, v4;
	v9 =	vld [tilespmem:s16+$0xFFFFFE40];
	v10 =	vsel vm0, $0x3F800000, v0  }
0x113: {  	v13 =	vsel vm1, $0x3F800000, v0;
	[tilespmem:s17+$0x100] =	vst v7;
	v7 =	vld [tilespmem:s16+$0xFFFFFF40];
	v12 =	vmul.f32 v10, v12  }
0x114: {  	v15 =	vmul.f32 v13, v15;
	v16 =	vmul.f32 v10, v16;
	[tilespmem:s17+$0x180] =	vst v4;
	v19 =	vld [tilespmem:s16+$0xFFFFFFC0];
	v4 =	vand.u32 $0x7FFFFFFF, v18  }
0x115: {  	v17 =	vmul.f32 v13, v17;
	v20 =	vld [tilespmem:s19+$0x90];
	vm0 =	vle.f32 v4, $4.000000000e+01;
	[tilespmem:s15+$0x40] =	vst v12;
	v4 =	vmul.f32 v10, v14  }
0x116: {  	v6 =	vmul.f32 v13, v6;
	v12 =	vld [tilespmem:s19+$0x10];
	[tilespmem:s15+$0xC0] =	vst v16;
	v8 =	vmul.f32 v10, v8  }
0x117: {  	v10 =	vmul.f32 v13, v11;
	vm1 =	vge.f32 v9, $0.0e+00;
	vm2 =	vle.f32 v9, $7.040000150e+01;
	[tilespmem:s15+$0x140] =	vst v4;
	v11 =	vld [tilespmem:s13+$0xFFFFFEE0]  }
0x118: {  	vm0 =	vmand vm2, vm0;
	[tilespmem:s15+$0x1C0] =	vst v8;
	v8 =	vld [tilespmem:s13+$0xFFFFFE60]  }
0x119: {  	[tilespmem:s17+$0xFFFFFE00] =	vst v15;
	vm0 =	vmand vm0, vm1;
	v13 =	vld [tilespmem:s16+$0xD0]  }
0x11a: {  	[tilespmem:s17+$0xFFFFFE80] =	vst v17;
	v4 =	vand.u32 $0x7FFFFFFF, v20;
	v14 =	vsel vm0, $0x3F800000, v0;
	v15 =	vld [tilespmem:s16+$0x50]  }
0x11b: {  	[tilespmem:s17+$0xFFFFFF00] =	vst v6;
	vm0 =	vle.f32 v12, $7.040000150e+01;
	vm1 =	vle.f32 v4, $4.000000000e+01;
	v6 =	vmul.f32 v14, v9;
	v4 =	vld [tilespmem:s13+$0xFFFFFF60]  }
0x11c: {  	vm2 =	vge.f32 v12, $0.0e+00;
	[tilespmem:s17+$0xFFFFFF80] =	vst v10;
	v9 =	vld [tilespmem:s19+$0x110];
	vm0 =	vmand vm0, vm1;
	v10 =	vmul.f32 v14, v18  }
0x11d: {  	v16 =	vld [tilespmem:s19+$0x190];
	vm0 =	vmand vm0, vm2;
	[tilespmem:s15+$0xFFFFFE40] =	vst v6;
	v6 =	vmul.f32 v14, v7;
	v7 =	vmul.f32 v14, v19  }
0x11e: {  	v18 =	vand.u32 $0x7FFFFFFF, v11;
	v14 =	vld [tilespmem:s19+$0xFFFFFE90];
	v17 =	vsel vm0, $0x3F800000, v0;
	[tilespmem:s15+$0xFFFFFEC0] =	vst v10;
	v10 =	vand.u32 $0x7FFFFFFF, v13  }
0x11f: {  	s18 =	sadd.s32 $0x2, s18;
	v19 =	vld [tilespmem:s19+$0xFFFFFE10];
	v12 =	vmul.f32 v17, v12;
	[tilespmem:s15+$0xFFFFFF40] =	vst v6;
	vm0 =	vle.f32 v15, $7.040000150e+01;
	vm1 =	vle.f32 v10, $4.000000000e+01  }
0x120: {  	p0 =	slt.u32 s18, $0x60;
	v6 =	vmul.f32 v17, v20;
	vm2 =	vge.f32 v15, $0.0e+00;
	[tilespmem:s15+$0xFFFFFFC0] =	vst v7;
	v7 =	vld [tilespmem:s16+$0x150];
	vm0 =	vmand vm0, vm1  }
0x121: {  	vm1 =	vle.f32 v18, $4.000000000e+01;
	[tilespmem:s17+$0x10] =	vst v12;
	v9 =	vmul.f32 v17, v9;
	v10 =	vld [tilespmem:s16+$0x1D0];
	vm0 =	vmand vm0, vm2  }
0x122: {  	v12 =	vld [tilespmem:s19+$0xFFFFFF10];
	[tilespmem:s17+$0x90] =	vst v6;
	v6 =	vmul.f32 v17, v16;
	v16 =	vsel vm0, $0x3F800000, v0;
	vm0 =	vle.f32 v8, $7.040000150e+01  }
0x123: {  	v17 =	vld [tilespmem:s19+$0xFFFFFF90];
	v18 =	vand.u32 $0x7FFFFFFF, v14;
	[tilespmem:s17+$0x110] =	vst v9;
	v9 =	vmul.f32 v16, v15;
	vm0 =	vmand vm0, vm1  }
0x124: {  	v13 =	vmul.f32 v16, v13;
	vm1 =	vle.f32 v19, $7.040000150e+01;
	vm2 =	vle.f32 v18, $4.000000000e+01;
	[tilespmem:s17+$0x190] =	vst v6;
	v6 =	vld [tilespmem:s16+$0xFFFFFED0]  }
0x125: {  	vm3 =	vge.f32 v19, $0.0e+00;
	vm1 =	vmand vm1, vm2;
	v15 =	vld [tilespmem:s19+$0xA0];
	[tilespmem:s15+$0x50] =	vst v9;
	v7 =	vmul.f32 v16, v7  }
0x126: {  	vm2 =	vge.f32 v8, $0.0e+00;
	vm1 =	vmand vm1, vm3;
	v9 =	vld [tilespmem:s19+$0x20];
	[tilespmem:s15+$0xD0] =	vst v13;
	v10 =	vmul.f32 v16, v10  }
0x127: {  	vm0 =	vmand vm0, vm2;
	v13 =	vsel vm1, $0x3F800000, v0;
	v16 =	vld [tilespmem:s16+$0xFFFFFE50];
	[tilespmem:s15+$0x150] =	vst v7  }
0x128: {  	v7 =	vmul.f32 v13, v19;
	v14 =	vmul.f32 v13, v14;
	v18 =	vld [tilespmem:s16+$0xFFFFFF50];
	[tilespmem:s15+$0x1D0] =	vst v10;
	v10 =	vsel vm0, $0x3F800000, v0  }
0x129: {  	v12 =	vmul.f32 v13, v12;
	v13 =	vmul.f32 v13, v17;
	v17 =	vand.u32 $0x7FFFFFFF, v6;
	v19 =	vld [tilespmem:s16+$0xE0];
	[tilespmem:s10+$0xFFFFFFF0] =	vst v5;
	s10 =	smov.u32 s12;
	s12 =	smov.u32 s14;
	s14 =	smov.u32 s15  }
0x12a: {  	s15 =	smov.u32 s17;
	[tilespmem:s17+$0xFFFFFE10] =	vst v7;
	v5 =	vand.u32 $0x7FFFFFFF, v15;
	vm0 =	vle.f32 v17, $4.000000000e+01;
	v17 =	vld [tilespmem:s16+$0x60];
	v7 =	vmul.f32 v10, v8  }
0x12b: {  	v8 =	vmul.f32 v10, v11;
	[tilespmem:s17+$0xFFFFFE90] =	vst v14;
	vm1 =	vle.f32 v9, $7.040000150e+01;
	vm2 =	vle.f32 v5, $4.000000000e+01;
	v5 =	vld [tilespmem:s16+$0xFFFFFFD0]  }
0x12c: {  	vm3 =	vge.f32 v9, $0.0e+00;
	[tilespmem:s17+$0xFFFFFF10] =	vst v12;
	v11 =	vld [tilespmem:s19+$0x120];
	vm1 =	vmand vm1, vm2;
	vm2 =	vle.f32 v16, $7.040000150e+01  }
0x12d: {  	[tilespmem:s17+$0xFFFFFF90] =	vst v13;
	v12 =	vld [tilespmem:s19+$0x1A0];
	vm1 =	vmand vm1, vm3;
	vm3 =	vge.f32 v16, $0.0e+00;
	vm0 =	vmand vm2, vm0  }
0x12e: {  	v13 =	vld [tilespmem:s19+$0xFFFFFEA0];
	v14 =	vsel vm1, $0x3F800000, v0;
	vm0 =	vmand vm0, vm3;
	v20 =	vand.u32 $0x7FFFFFFF, v19;
	[tilespmem:s12+$0x70] =	vst v2  }
0x12f: {  	v2 =	vld [tilespmem:s19+$0xFFFFFE20];
	v9 =	vmul.f32 v14, v9;
	vm1 =	vle.f32 v17, $7.040000150e+01;
	vm2 =	vle.f32 v20, $4.000000000e+01;
	[tilespmem:s12+$0xF0] =	vst v1  }
0x130: {  	v1 =	vmul.f32 v14, v15;
	vm3 =	vge.f32 v17, $0.0e+00;
	v15 =	vld [tilespmem:s16+$0x160];
	vm1 =	vmand vm1, vm2;
	[tilespmem:s12+$0x170] =	vst v3  }
0x131: {  	[tilespmem:s17+$0x20] =	vst v9;
	v3 =	vmul.f32 v14, v11;
	v9 =	vsel vm0, $0x3F800000, v0;
	v11 =	vld [tilespmem:s16+$0x1E0];
	vm0 =	vmand vm1, vm3  }
0x132: {  	v20 =	vld [tilespmem:s19+$0xFFFFFF20];
	[tilespmem:s17+$0xA0] =	vst v1;
	v1 =	vmul.f32 v14, v12;
	v12 =	vmul.f32 v9, v16;
	v14 =	vsel vm0, $0x3F800000, v0  }
0x133: {  	v6 =	vmul.f32 v9, v6;
	v16 =	vld [tilespmem:s19+$0xFFFFFFA0];
	v21 =	vand.u32 $0x7FFFFFFF, v13;
	[tilespmem:s17+$0x120] =	vst v3;
	v3 =	vmul.f32 v14, v17  }
0x134: {  	vm0 =	vle.f32 v2, $7.040000150e+01;
	vm1 =	vle.f32 v21, $4.000000000e+01;
	[tilespmem:s17+$0x1A0] =	vst v1;
	v1 =	vmul.f32 v14, v19;
	v17 =	vld [tilespmem:s13+$0xFFFFFFE0]  }
0x135: {  	vm2 =	vge.f32 v2, $0.0e+00;
	vm0 =	vmand vm0, vm1;
	[tilespmem:s14+$0x60] =	vst v3;
	v3 =	vmul.f32 v14, v15;
	v19 =	vld [tilespmem:s11+$0xFFFFFEF0]  }
0x136: {  	v15 =	vmul.f32 v9, v18;
	vm0 =	vmand vm0, vm2;
	[tilespmem:s14+$0xE0] =	vst v1;
	v1 =	vmul.f32 v14, v11;
	v14 =	vld [tilespmem:s11+$0xFFFFFE70]  }
0x137: {  	v21 =	vmul.f32 v10, v4;
	v9 =	vmul.f32 v9, v5;
	v11 =	vsel vm0, $0x3F800000, v0;
	v18 =	vld [tilespmem:s19+$0x30];
	[tilespmem:s14+$0x160] =	vst v3  }
0x138: {  	v2 =	vmul.f32 v11, v2;
	v3 =	vmul.f32 v11, v13;
	v22 =	vld [tilespmem:s19+$0xB0];
	[tilespmem:s14+$0x1E0] =	vst v1  }
0x139: {  	v5 =	vmul.f32 v11, v20;
	v11 =	vmul.f32 v11, v16;
	[tilespmem:s14+$0xFFFFFE50] =	vst v12;
	v1 =	vld [tilespmem:s16+$0xF0]  }
0x13a: {  	v4 =	vmul.f32 v10, v17;
	[tilespmem:s17+$0xFFFFFE20] =	vst v2;
	v2 =	vld [tilespmem:s16+$0x70];
	v10 =	vand.u32 $0x7FFFFFFF, v19  }
0x13b: {  	[tilespmem:s17+$0xFFFFFEA0] =	vst v3;
	v20 =	vld [tilespmem:s11+$0xFFFFFF70];
	vm0 =	vge.f32 v14, $0.0e+00;
	vm1 =	vle.f32 v14, $7.040000150e+01;
	vm2 =	vle.f32 v10, $4.000000000e+01  }
0x13c: {  	[tilespmem:s17+$0xFFFFFF20] =	vst v5;
	v3 =	vld [tilespmem:s11+$0xFFFFFFF0];
	vm1 =	vmand vm1, vm2;
	s11 =	smov.u32 s13;
	s13 =	smov.u32 s16;
	s16 =	smov.u32 s19  }
0x13d: {  	[tilespmem:s17+$0xFFFFFFA0] =	vst v11;
	vm0 =	vmand vm1, vm0  }
0x13e: {  	vm1 =	vle.f32 v18, $7.040000150e+01;
	[tilespmem:s14+$0xFFFFFED0] =	vst v6;
	v10 =	vld [tilespmem:s13+$0x1F0];
	v6 =	vand.u32 $0x7FFFFFFF, v1;
	v5 =	vsel vm0, $0x3F800000, v0  }
0x13f: {  	v13 =	vand.u32 $0x7FFFFFFF, v22;
	v11 =	vld [tilespmem:s19+$0xFFFFFEB0];
	vm0 =	vle.f32 v2, $7.040000150e+01;
	vm2 =	vle.f32 v6, $4.000000000e+01  }
0x140: {  	vm3 =	vle.f32 v13, $4.000000000e+01;
	vm4 =	vge.f32 v2, $0.0e+00;
	v12 =	vld [tilespmem:s19+$0xFFFFFE30];
	[tilespmem:s14+$0xFFFFFF50] =	vst v15;
	vm0 =	vmand vm0, vm2  }
.Ltmp0:
0x141: {  	vm1 =	vmand vm1, vm3;
	vm2 =	vge.f32 v18, $0.0e+00;
	v15 =	vld [tilespmem:s19+$0x130];
	[tilespmem:s14+$0xFFFFFFD0] =	vst v9;
	vm0 =	vmand vm0, vm4;
	(pc) =	sbr.rel @p0 .LBB2_2-.Ltmp0, $4  }
0x142: {  	vm1 =	vmand vm1, vm2;
	v16 =	vld [tilespmem:s19+$0x1B0];
	v6 =	vsel vm0, $0x3F800000, v0;
	[tilespmem:s12+$0xFFFFFE60] =	vst v7;
	v7 =	vmul.f32 v5, v14  }
0x143: {  	v9 =	vmul.f32 v5, v19;
	v17 =	vsel vm1, $0x3F800000, v0;
	v13 =	vld [tilespmem:s19+$0xFFFFFF30];
	v23 =	vmul.f32 v6, v10;
	[tilespmem:s12+$0xFFFFFEE0] =	vst v8  }
0x144: {  	v18 =	vmul.f32 v17, v18;
	v8 =	vmul.f32 v5, v20;
	v14 =	vld [tilespmem:s19+$0xFFFFFFB0];
	v10 =	vand.u32 $0x7FFFFFFF, v11;
	[tilespmem:s12+$0xFFFFFF60] =	vst v21  }
0x145: {  	v19 =	vmul.f32 v17, v22;
	s19 =	sadd.s32 $0x400, s19;
	vm0 =	vle.f32 v12, $7.040000150e+01;
	vm1 =	vle.f32 v10, $4.000000000e+01;
	v10 =	vld [tilespmem:s13+$0x170];
	[tilespmem:s14+$0x1F0] =	vst v23  }
0x146: {  	[tilespmem:s17+$0x30] =	vst v18;
	v15 =	vmul.f32 v17, v15  }
0x147: {  	[tilespmem:s17+$0xB0] =	vst v19;
	v16 =	vmul.f32 v17, v16  }
0x148: {  	[tilespmem:s17+$0x130] =	vst v15  }
0x149: {  	[tilespmem:s17+$0x1B0] =	vst v16  }
0x14a: {  	vm2 =	vge.f32 v12, $0.0e+00;
	vm0 =	vmand vm0, vm1;
	v15 =	vld [tilespmem:s16+$0xC0]  }
0x14b: {  	vm0 =	vmand vm0, vm2;
	v16 =	vld [tilespmem:s16+$0x40]  }
0x14c: {  	v38 =	vsel vm0, $0x3F800000, v0  }
0x14d: {  	v40 =	vmul.f32 v38, v12  }
0x14e: {  	v11 =	vmul.f32 v38, v11  }
0x14f: {  	v13 =	vmul.f32 v38, v13;
	[tilespmem:s17+$0xFFFFFE30] =	vst v40;
	v39 =	vand.u32 $0x7FFFFFFF, v15  }
0x150: {  	v14 =	vmul.f32 v38, v14;
	[tilespmem:s17+$0xFFFFFEB0] =	vst v11;
	vm5 =	vle.f32 v16, $7.040000150e+01;
	vm6 =	vle.f32 v39, $4.000000000e+01  }
0x151: {  	v41 =	vld [tilespmem:s16+$0x140];
	[tilespmem:s17+$0xFFFFFF30] =	vst v13;
	vm7 =	vge.f32 v16, $0.0e+00;
	vm0 =	vmand vm5, vm6  }
0x152: {  	v42 =	vld [tilespmem:s16+$0x1C0];
	[tilespmem:s17+$0xFFFFFFB0] =	vst v14;
	vm0 =	vmand vm0, vm7  }
0x153: {  	v46 =	vld [tilespmem:s16+$0xFFFFFEC0];
	v43 =	vsel vm0, $0x3F800000, v0  }
0x154: {  	v48 =	vld [tilespmem:s16+$0xFFFFFE40];
	v44 =	vmul.f32 v43, v16  }
0x155: {  	v45 =	vmul.f32 v43, v15  }
0x156: {  	v47 =	vmul.f32 v43, v41;
	[tilespmem:s15+$0x40] =	vst v44  }
0x157: {  	v11 =	vmul.f32 v43, v42;
	[tilespmem:s15+$0xC0] =	vst v45  }
0x158: {  	v50 =	vld [tilespmem:s16+$0xFFFFFF40];
	v49 =	vand.u32 $0x7FFFFFFF, v46;
	[tilespmem:s15+$0x140] =	vst v47  }
0x159: {  	v51 =	vld [tilespmem:s16+$0xFFFFFFC0];
	vm9 =	vle.f32 v48, $7.040000150e+01;
	vm8 =	vle.f32 v49, $4.000000000e+01;
	[tilespmem:s15+$0x1C0] =	vst v11  }
0x15a: {  	vm10 =	vge.f32 v48, $0.0e+00;
	vm0 =	vmand vm9, vm8;
	v11 =	vld [tilespmem:s16+$0xD0]  }
0x15b: {  	vm0 =	vmand vm0, vm10;
	v13 =	vld [tilespmem:s16+$0x50]  }
0x15c: {  	v52 =	vsel vm0, $0x3F800000, v0  }
0x15d: {  	v16 =	vmul.f32 v52, v48  }
0x15e: {  	v15 =	vmul.f32 v52, v46  }
0x15f: {  	v12 =	vmul.f32 v52, v50;
	[tilespmem:s15+$0xFFFFFE40] =	vst v16;
	v53 =	vand.u32 $0x7FFFFFFF, v11  }
0x160: {  	v14 =	vmul.f32 v52, v51;
	[tilespmem:s15+$0xFFFFFEC0] =	vst v15;
	vm11 =	vle.f32 v13, $7.040000150e+01;
	vm12 =	vle.f32 v53, $4.000000000e+01  }
0x161: {  	v54 =	vld [tilespmem:s16+$0x150];
	[tilespmem:s15+$0xFFFFFF40] =	vst v12;
	vm13 =	vge.f32 v13, $0.0e+00;
	vm0 =	vmand vm11, vm12  }
0x162: {  	v55 =	vld [tilespmem:s16+$0x1D0];
	[tilespmem:s15+$0xFFFFFFC0] =	vst v14;
	vm0 =	vmand vm0, vm13  }
0x163: {  	v58 =	vld [tilespmem:s16+$0xFFFFFED0];
	v56 =	vsel vm0, $0x3F800000, v0  }
0x164: {  	v14 =	vld [tilespmem:s16+$0xFFFFFE50];
	v57 =	vmul.f32 v56, v13  }
0x165: {  	v11 =	vmul.f32 v56, v11  }
0x166: {  	v59 =	vmul.f32 v56, v54;
	[tilespmem:s15+$0x50] =	vst v57  }
0x167: {  	v60 =	vmul.f32 v56, v55;
	[tilespmem:s15+$0xD0] =	vst v11  }
0x168: {  	v63 =	vld [tilespmem:s16+$0xFFFFFF50];
	v61 =	vand.u32 $0x7FFFFFFF, v58;
	[tilespmem:s15+$0x150] =	vst v59  }
0x169: {  	v20 =	vld [tilespmem:s16+$0xFFFFFFD0];
	vm15 =	vle.f32 v14, $7.040000150e+01;
	vm14 =	vle.f32 v61, $4.000000000e+01;
	[tilespmem:s15+$0x1D0] =	vst v60  }
0x16a: {  	vm4 =	vge.f32 v14, $0.0e+00;
	vm0 =	vmand vm15, vm14;
	v11 =	vld [tilespmem:s16+$0xE0]  }
0x16b: {  	[tilespmem:s12+$0xFFFFFFE0] =	vst v4;
	vm0 =	vmand vm0, vm4;
	v62 =	vld [tilespmem:s16+$0x60]  }
0x16c: {  	[tilespmem:s10+$0xFFFFFE70] =	vst v7;
	v23 =	vsel vm0, $0x3F800000, v0  }
0x16d: {  	[tilespmem:s10+$0xFFFFFEF0] =	vst v9;
	v14 =	vmul.f32 v23, v14  }
0x16e: {  	v21 =	vld [tilespmem:s13+$0xFFFFFEE0];
	[tilespmem:s10+$0xFFFFFF70] =	vst v8;
	v13 =	vmul.f32 v23, v58  }
0x16f: {  	v24 =	vld [tilespmem:s13+$0xFFFFFE60];
	v12 =	vmul.f32 v23, v63;
	[tilespmem:s15+$0xFFFFFE50] =	vst v14;
	v22 =	vand.u32 $0x7FFFFFFF, v11  }
0x170: {  	v28 =	vld [tilespmem:s13+$0xFFFFFF60];
	v4 =	vmul.f32 v23, v20;
	[tilespmem:s15+$0xFFFFFED0] =	vst v13;
	vm5 =	vle.f32 v62, $7.040000150e+01;
	vm6 =	vle.f32 v22, $4.000000000e+01  }
0x171: {  	v3 =	vmul.f32 v5, v3;
	v25 =	vld [tilespmem:s16+$0x160];
	[tilespmem:s15+$0xFFFFFF50] =	vst v12;
	vm7 =	vge.f32 v62, $0.0e+00;
	vm0 =	vmand vm5, vm6  }
0x172: {  	v2 =	vmul.f32 v6, v2;
	v26 =	vld [tilespmem:s16+$0x1E0];
	[tilespmem:s15+$0xFFFFFFD0] =	vst v4;
	vm0 =	vmand vm0, vm7  }
0x173: {  	v1 =	vmul.f32 v6, v1;
	[tilespmem:s10+$0xFFFFFFF0] =	vst v3;
	v32 =	vld [tilespmem:s16+$0xFFFFFEE0];
	v27 =	vsel vm0, $0x3F800000, v0  }
0x174: {  	[tilespmem:s14+$0x70] =	vst v2;
	v29 =	vand.u32 $0x7FFFFFFF, v21;
	v34 =	vld [tilespmem:s16+$0xFFFFFE60];
	v15 =	vmul.f32 v27, v62  }
0x175: {  	v30 =	vld [tilespmem:s13+$0xFFFFFFE0];
	[tilespmem:s14+$0xF0] =	vst v1;
	vm8 =	vle.f32 v29, $4.000000000e+01;
	vm9 =	vle.f32 v24, $7.040000150e+01;
	v11 =	vmul.f32 v27, v11  }
0x176: {  	v35 =	vld [tilespmem:s11+$0xFFFFFEF0];
	vm10 =	vge.f32 v24, $0.0e+00;
	vm0 =	vmand vm9, vm8;
	v31 =	vmul.f32 v27, v25;
	[tilespmem:s15+$0x60] =	vst v15  }
0x177: {  	v37 =	vld [tilespmem:s11+$0xFFFFFE70];
	v33 =	vmul.f32 v27, v26;
	vm0 =	vmand vm0, vm10;
	[tilespmem:s15+$0xE0] =	vst v11  }
0x178: {  	v38 =	vmul.f32 v6, v10;
	v47 =	vld [tilespmem:s11+$0xFFFFFF70];
	v41 =	vand.u32 $0x7FFFFFFF, v32;
	v36 =	vsel vm0, $0x3F800000, v0;
	[tilespmem:s15+$0x160] =	vst v31  }
0x179: {  	v43 =	vld [tilespmem:s16+$0xFFFFFF60];
	vm12 =	vle.f32 v34, $7.040000150e+01;
	vm11 =	vle.f32 v41, $4.000000000e+01;
	[tilespmem:s15+$0x1E0] =	vst v33;
	v3 =	vmul.f32 v36, v24  }
0x17a: {  	[tilespmem:s14+$0x170] =	vst v38;
	vm13 =	vge.f32 v34, $0.0e+00;
	vm0 =	vmand vm12, vm11;
	v7 =	vmul.f32 v36, v21;
	v39 =	vld [tilespmem:s16+$0xF0]  }
0x17b: {  	v2 =	vmul.f32 v36, v28;
	vm0 =	vmand vm0, vm13;
	[tilespmem:s14+$0xFFFFFE60] =	vst v3;
	v3 =	vld [tilespmem:s16+$0xFFFFFFE0]  }
0x17c: {  	v42 =	vand.u32 $0x7FFFFFFF, v35;
	v1 =	vmul.f32 v36, v30;
	v40 =	vld [tilespmem:s16+$0x70];
	v46 =	vsel vm0, $0x3F800000, v0;
	[tilespmem:s14+$0xFFFFFEE0] =	vst v7  }
0x17d: {  	vm3 =	vle.f32 v42, $4.000000000e+01;
	v48 =	vld [tilespmem:s11+$0xFFFFFFF0];
	vm14 =	vle.f32 v37, $7.040000150e+01;
	[tilespmem:s14+$0xFFFFFF60] =	vst v2;
	v2 =	vmul.f32 v46, v34  }
0x17e: {  	vm15 =	vmand vm14, vm3;
	vm9 =	vge.f32 v37, $0.0e+00;
	v44 =	vld [tilespmem:s16+$0x1F0];
	[tilespmem:s14+$0xFFFFFFE0] =	vst v1;
	v1 =	vmul.f32 v46, v32  }
0x17f: {  	vm1 =	vmand vm15, vm9;
	v6 =	vmul.f32 v46, v43;
	v49 =	vld [tilespmem:s13+$0xFFFFFEF0];
	[tilespmem:s15+$0xFFFFFE60] =	vst v2  }
0x180: {  	v50 =	vld [tilespmem:s13+$0xFFFFFE70];
	[tilespmem:s15+$0xFFFFFEE0] =	vst v1;
	v1 =	vsel vm1, $0x3F800000, v0;
	v45 =	vand.u32 $0x7FFFFFFF, v39;
	v3 =	vmul.f32 v46, v3  }
0x181: {  	[tilespmem:s15+$0xFFFFFF60] =	vst v6;
	v51 =	vmul.f32 v1, v37;
	vm6 =	vle.f32 v40, $7.040000150e+01;
	vm7 =	vle.f32 v45, $4.000000000e+01  }
0x182: {  	v52 =	vld [tilespmem:s16+$0x170];
	v54 =	vmul.f32 v1, v47;
	vm8 =	vge.f32 v40, $0.0e+00;
	vm0 =	vmand vm6, vm7;
	[tilespmem:s15+$0xFFFFFFE0] =	vst v3  }
0x183: {  	[tilespmem:s12+$0xFFFFFE70] =	vst v51;
	vm0 =	vmand vm0, vm8;
	v3 =	vmul.f32 v1, v35;
	v53 =	vld [tilespmem:s16+$0xFFFFFEF0]  }
0x184: {  	[tilespmem:s12+$0xFFFFFF70] =	vst v54;
	v55 =	vand.u32 $0x7FFFFFFF, v49;
	v1 =	vmul.f32 v1, v48;
	v2 =	vsel vm0, $0x3F800000, v0;
	v56 =	vld [tilespmem:s16+$0xFFFFFE70]  }
0x185: {  	vm10 =	vle.f32 v50, $7.040000150e+01;
	vm11 =	vle.f32 v55, $4.000000000e+01;
	v4 =	vmul.f32 v2, v44;
	[tilespmem:s12+$0xFFFFFEF0] =	vst v3  }
0x186: {  	v57 =	vld [tilespmem:s13+$0xFFFFFF70];
	vm12 =	vge.f32 v50, $0.0e+00;
	vm0 =	vmand vm10, vm11;
	v3 =	vmul.f32 v2, v40;
	[tilespmem:s12+$0xFFFFFFF0] =	vst v1  }
0x187: {  	v58 =	vmul.f32 v2, v39;
	v1 =	vld [tilespmem:s13+$0xFFFFFFF0];
	vm0 =	vmand vm0, vm12;
	[tilespmem:s15+$0x1F0] =	vst v4  }
0x188: {  	v2 =	vmul.f32 v2, v52;
	[tilespmem:s15+$0x70] =	vst v3;
	v3 =	vsel vm0, $0x3F800000, v0;
	v59 =	vand.u32 $0x7FFFFFFF, v53  }
0x189: {  	[tilespmem:s15+$0xF0] =	vst v58;
	v60 =	vmul.f32 v3, v50;
	vm13 =	vle.f32 v56, $7.040000150e+01;
	vm14 =	vle.f32 v59, $4.000000000e+01  }
0x18a: {  	v61 =	vld [tilespmem:s16+$0xFFFFFF70];
	[tilespmem:s15+$0x170] =	vst v2;
	v2 =	vmul.f32 v3, v49;
	vm15 =	vge.f32 v56, $0.0e+00;
	vm0 =	vmand vm13, vm14  }
0x18b: {  	v62 =	vld [tilespmem:s16+$0xFFFFFFF0];
	v5 =	vmul.f32 v3, v57;
	[tilespmem:s14+$0xFFFFFE70] =	vst v60;
	vm0 =	vmand vm0, vm15  }
0x18c: {  	v1 =	vmul.f32 v3, v1;
	[tilespmem:s14+$0xFFFFFEF0] =	vst v2;
	v2 =	vsel vm0, $0x3F800000, v0  }
0x18d: {  	[tilespmem:s14+$0xFFFFFF70] =	vst v5;
	v3 =	vmul.f32 v2, v56  }
0x18e: {  	[tilespmem:s14+$0xFFFFFFF0] =	vst v1;
	v1 =	vmul.f32 v2, v53  }
0x18f: {  	v63 =	vmul.f32 v2, v61;
	[tilespmem:s15+$0xFFFFFE70] =	vst v3  }
0x190: {  	s9 =	sadd.s32 $0x1, s9;
	v2 =	vmul.f32 v2, v62;
	[tilespmem:s15+$0xFFFFFEF0] =	vst v1  }
0x191: {  	p0 =	sne.s32 s9, s5;
	[tilespmem:s15+$0xFFFFFF70] =	vst v63  }
.Ltmp1:
0x192: {  	[tilespmem:s15+$0xFFFFFFF0] =	vst v2;
	(pc) =	sbr.rel @p0 .LBB2_1-.Ltmp1, $4  }
0x193: {  	[hbm4b:s4+s2] =	stream.linear.scatter [tilespmem:s7], [sflag:$0x2], $0xC400, $0x38;
	[tilespmem:$0x18800] =	vst v63  }
0x194: {  	_ =	swait.ge [sflag:s8], $0xC400  }
0x195: {  	[sflag:s8] =	ssyncset.done $0x0  }
0x196: {  	[sflag:s8] =	ssyncadd.s32 $0xFFFF3C00  }
0x197: {  	_ =	sfence.sel $0x180000  }
0x198: {  	[bflag:$0x0] =	sbarrier.arrive $0xFFFF  }
0x199: {  	p0 =	sne.s32 s0, $0x0;
	_ =	strace $0x90000047  }
0x19a: {  	s0 =	sadd.s32 @!p0 $0x100000, s1;
	[bflag:$0x2] =	sbarrier.arrive $0xFFFF  }
0x19b: {  	[sflag:s0] =	ssyncadd.tile.s32 @!p0 $0x1;
	_ =	shalt  }
.Lfunc_end2:
_tile_overlayer_lowered:
.L_overlay_start_2:
0x19c: {  	(tag) =	ssettag $0x2  }
0x19d: {  	s0 =	rddreg [dreg:$0x0];
	s2 =	stileid.u32  }
0x19e: {  	s1 =	rddreg [dreg:$0x1];
	p0 =	sne.s32 s2, $0x0  }
0x19f: {  	s3 =	rddreg [dreg:$0x2];
	[bflag:$0x3] =	sbarrier.arrive $0xFFFF;
	s2 =	simm.s32 @!p0 $0x1C03  }
0x1a0: {  	[timem:s3], [sflag:s2] =	dma.local @!p0 [hbm:s0], s1  }
0x1a1: {  	s0 =	simm.s32 @!p0 $0x3  }
0x1a2: {  	_ =	swait.ge @!p0 [sflag:s0], s1  }
0x1a3: {  	s1 =	ssub.s32 @!p0 $0x0, s1;
	[sflag:s0] =	ssyncset.done @!p0 $0x0  }
0x1a4: {  	[sflag:s0] =	ssyncadd.s32 @!p0 s1  }
0x1a5: {  	[bflag:$0x3] =	sbarrier.arrive $0xFFFF  }
0x1a6: {  	_ =	shalt  }

</sc_bundles>
